<compile_context>
chip_gen: v7x
topology: tpu7x:2x2x1
jax: 0.10.2.dev20260603
libtpu: 0.0.44.dev20260713+nightly
codegen_flags: <defaults>
</compile_context>

<pallas_src>
import functools

import jax
import jax.numpy as jnp
from jax import lax
from jax.experimental import pallas as pl
from jax.experimental.pallas import tpu as pltpu
from jax.experimental.pallas import tpu_sc as plsc

N = 10000
D = 128
G = 128
E = 320000
ALPHA = 0.1

NP = 10240
NC, NS = 2, 16
NW = NC * NS
CH = 128
K = 80
EP = NW * K * CH
EROWS = EP // CH
DRAIN = NP // NS

_mesh = plsc.VectorSubcoreMesh(core_axis_name="c", subcore_axis_name="s")


@functools.partial(
    pl.kernel,
    out_type=jax.ShapeDtypeStruct((NC, NP, 16), jnp.float32),
    mesh=_mesh,
    scratch_types=[
        pltpu.VMEM((K, CH), jnp.int32),
        pltpu.VMEM((CH, 16), jnp.float32),
        pltpu.VMEM_SHARED((NP, 16), jnp.float32),
    ],
)
def _sc_hist(dst_hbm, zeros_hbm, ones_hbm, out_hbm, idx_v, ones_v, acc_sh):
    cid = lax.axis_index("c")
    sid = lax.axis_index("s")
    wid = cid * NS + sid
    pltpu.sync_copy(zeros_hbm.at[pl.ds(sid * DRAIN, DRAIN)],
                    acc_sh.at[pl.ds(sid * DRAIN, DRAIN)])
    pltpu.sync_copy(ones_hbm, ones_v)
    pltpu.sync_copy(dst_hbm.at[pl.ds(wid * K, K)], idx_v)
    plsc.subcore_barrier()

    @pl.loop(0, K)
    def _(j):
        pltpu.sync_copy(ones_v, acc_sh.at[idx_v.at[j]], add=True)

    plsc.subcore_barrier()
    pltpu.sync_copy(acc_sh.at[pl.ds(sid * DRAIN, DRAIN)],
                    out_hbm.at[cid, pl.ds(sid * DRAIN, DRAIN)])


@functools.partial(
    pl.kernel,
    out_type=jax.ShapeDtypeStruct((NC, NP, D), jnp.float32),
    mesh=_mesh,
    scratch_types=[
        pltpu.VMEM((K, CH), jnp.int32),
        pltpu.VMEM((K, CH), jnp.int32),
        pltpu.VMEM((CH, D), jnp.float32),
        pltpu.VMEM_SHARED((NP, D), jnp.float32),
        pltpu.SemaphoreType.DMA,
    ],
)
def _sc_propagate(g_hbm, src_hbm, dst_hbm, zeros_hbm, out_hbm,
                  srcv, dstv, r0, acc_sh, s0):
    cid = lax.axis_index("c")
    sid = lax.axis_index("s")
    wid = cid * NS + sid
    pltpu.sync_copy(zeros_hbm.at[pl.ds(sid * DRAIN, DRAIN)],
                    acc_sh.at[pl.ds(sid * DRAIN, DRAIN)])
    pltpu.sync_copy(src_hbm.at[pl.ds(wid * K, K)], srcv)
    pltpu.sync_copy(dst_hbm.at[pl.ds(wid * K, K)], dstv)
    plsc.subcore_barrier()

    @pl.loop(0, K)
    def _(j):
        pltpu.async_copy(g_hbm.at[srcv.at[j]], r0, s0).wait()
        pltpu.sync_copy(r0, acc_sh.at[dstv.at[j]], add=True)

    plsc.subcore_barrier()
    pltpu.sync_copy(acc_sh.at[pl.ds(sid * DRAIN, DRAIN)],
                    out_hbm.at[cid, pl.ds(sid * DRAIN, DRAIN)])


_BLK = 1024


def _prep_body(x_ref, w_ref, b_ref, deg_ref, g_ref, cself_ref, dinv_ref):
    i = pl.program_id(0)
    h = lax.dot_general(x_ref[...], w_ref[...], (((1,), (0,)), ((), ())),
                        precision=lax.Precision.HIGHEST,
                        preferred_element_type=jnp.float32) + b_ref[...]
    h = h * lax.logistic(h)
    nrm = jnp.sqrt(jnp.sum(h * h, axis=1, keepdims=True))
    hp = h / jnp.maximum(nrm, 1e-12) * 1.8
    d = deg_ref[...]
    deg = d[0, :, 0:1] + d[1, :, 0:1] + 1.0
    dinv = lax.rsqrt(deg)
    row = i * _BLK + lax.broadcasted_iota(jnp.int32, (_BLK, 1), 0)
    mask = row < N
    g_ref[...] = jnp.where(mask, dinv * hp, 0.0)
    cself_ref[...] = jnp.where(mask, ((1.0 - ALPHA) / deg + ALPHA) * hp, 0.0)
    dinv_ref[...] = dinv


_prep = pl.pallas_call(
    _prep_body,
    grid=(NP // _BLK,),
    in_specs=[
        pl.BlockSpec((_BLK, D), lambda i: (i, 0)),
        pl.BlockSpec((D, D), lambda i: (0, 0)),
        pl.BlockSpec((1, D), lambda i: (0, 0)),
        pl.BlockSpec((NC, _BLK, 16), lambda i: (0, i, 0)),
    ],
    out_specs=[
        pl.BlockSpec((_BLK, D), lambda i: (i, 0)),
        pl.BlockSpec((_BLK, D), lambda i: (i, 0)),
        pl.BlockSpec((_BLK, 1), lambda i: (i, 0)),
    ],
    out_shape=[
        jax.ShapeDtypeStruct((NP, D), jnp.float32),
        jax.ShapeDtypeStruct((NP, D), jnp.float32),
        jax.ShapeDtypeStruct((NP, 1), jnp.float32),
    ],
)


def _comb_body(s_ref, cself_ref, dinv_ref, batch_ref, hout_ref, xg_ref):
    i = pl.program_id(0)
    s = s_ref[...]
    hout = (1.0 - ALPHA) * dinv_ref[...] * (s[0] + s[1]) + cself_ref[...]
    hout_ref[...] = hout
    oh = (batch_ref[...] ==
          lax.broadcasted_iota(jnp.int32, (_BLK, G), 1)).astype(jnp.float32)

    @pl.when(i == 0)
    def _():
        xg_ref[...] = jnp.zeros_like(xg_ref)

    xg_ref[...] += lax.dot_general(oh, hout, (((0,), (0,)), ((), ())),
                                   precision=lax.Precision.HIGHEST,
                                   preferred_element_type=jnp.float32)


_comb = pl.pallas_call(
    _comb_body,
    grid=(NP // _BLK,),
    in_specs=[
        pl.BlockSpec((NC, _BLK, D), lambda i: (0, i, 0)),
        pl.BlockSpec((_BLK, D), lambda i: (i, 0)),
        pl.BlockSpec((_BLK, 1), lambda i: (i, 0)),
        pl.BlockSpec((_BLK, 1), lambda i: (i, 0)),
    ],
    out_specs=[
        pl.BlockSpec((_BLK, D), lambda i: (i, 0)),
        pl.BlockSpec((G, D), lambda i: (0, 0)),
    ],
    out_shape=[
        jax.ShapeDtypeStruct((NP, D), jnp.float32),
        jax.ShapeDtypeStruct((G, D), jnp.float32),
    ],
)


def kernel(x, edge_index, batch, W, b):
    src = edge_index[0]
    dst = edge_index[1]
    pad = jnp.full((EP - E,), N, dtype=jnp.int32)
    src2d = jnp.concatenate([src, pad]).reshape(EROWS, CH)
    dpad = jnp.full((EP - E + 8 * CH,), N, dtype=jnp.int32)
    dst2d = jnp.concatenate([dst, dpad]).reshape(EROWS + 8, CH)
    x_pad = jnp.pad(x, ((0, NP - N), (0, 0)))
    batch2d = jnp.pad(batch, (0, NP - N)).reshape(NP, 1)
    zeros16 = jnp.zeros((NP, 16), jnp.float32)
    ones16 = jnp.ones((CH, 16), jnp.float32)
    zerosD = jnp.zeros((NP, D), jnp.float32)

    degp = _sc_hist(dst2d, zeros16, ones16)
    g, cself, dinv = _prep(x_pad, W, b.reshape(1, D), degp)
    s_part = _sc_propagate(g, src2d, dst2d, zerosD)
    hout_pad, xg = _comb(s_part, cself, dinv, batch2d)
    return hout_pad[:N], xg

# --- scband reference (transcript-rebuilt; emitter-appended) ---
"""Pipeline reference for scband-encoder-21620865368393 (READ-ONLY COPY).

The authoritative reference and input builder live on the scoring server;
editing this copy changes nothing except your own understanding.
"""

import jax, jax.numpy as jnp
import numpy as np

N = 10000
E = 320000
D = 128
G = 128
ALPHA = 0.1

def setup_inputs(seed: int = 0):
    key = jax.random.key(seed)
    ks = jax.random.split(key, 5)
    x = jax.random.normal(ks[0], (N, D), dtype=jnp.float32)
    edge_index = jax.random.randint(ks[1], (2, E), 0, N, dtype=jnp.int32)
    batch = jnp.sort(jax.random.randint(ks[2], (N,), 0, G, dtype=jnp.int32))
    W = jax.random.normal(ks[3], (D, D), dtype=jnp.float32) * (1.0 / np.sqrt(D))
    b = jax.random.normal(ks[4], (D,), dtype=jnp.float32) * 0.01
    return {"x": x, "edge_index": edge_index, "batch": batch, "W": W, "b": b}

def _forward(x, W, b, edge_index, batch):
    # Linear + SiLU
    h = x @ W + b
    h = h * jax.nn.sigmoid(h)
    # F.normalize(p=2, dim=1) * 1.8
    nrm = jnp.sqrt(jnp.sum(h * h, axis=1, keepdims=True))
    h_psc = h / jnp.maximum(nrm, 1e-12) * 1.8
    # APPNP(K=1, alpha=0.1) with gcn_norm (adds self-loops, symmetric norm)
    src = jnp.concatenate([edge_index[0], jnp.arange(N, dtype=edge_index.dtype)])
    dst = jnp.concatenate([edge_index[1], jnp.arange(N, dtype=edge_index.dtype)])
    w = jnp.ones(src.shape[0], dtype=x.dtype)
    deg = jax.ops.segment_sum(w, dst, num_segments=N)
    dinv = jnp.where(deg > 0, jax.lax.rsqrt(jnp.maximum(deg, 1e-12)), 0.0)
    norm = dinv[src] * w * dinv[dst]
    msg = h_psc[src] * norm[:, None]
    agg = jax.ops.segment_sum(msg, dst, num_segments=N)
    h_out = (1.0 - ALPHA) * agg + ALPHA * h_psc
    # global_add_pool (computed before dropout in the torch forward)
    xg = jax.ops.segment_sum(h_out, batch, num_segments=G)
    # dropout(0.1) is identity in eval mode
    return h_out, xg

def reference(x, edge_index, batch, W, b):
    return _forward(x, W, b, edge_index, batch)

if __name__ == "__main__":
    import jax
    _d = setup_inputs()
    print(jax.jit(kernel)(*tuple(_d.values())))

</pallas_src>

<mosaic_0001>
#map = affine_map<(d0, d1) -> (0, 0)>
#map1 = affine_map<(d0, d1) -> (0, 0, 0)>
module attributes {stable_mosaic.version = 14 : i64} {
  func.func @_sc_hist(%arg0: i32, %arg1: i32, %arg2: memref<2568x128xi32, #tpu.memory_space<hbm>>, %arg3: memref<10240x16xf32, #tpu.memory_space<hbm>>, %arg4: memref<128x16xf32, #tpu.memory_space<hbm>>, %arg5: memref<2x10240x16xf32, #tpu.memory_space<hbm>>, %arg6: memref<80x128xi32, #tpu.memory_space<vmem>>, %arg7: memref<128x16xf32, #tpu.memory_space<vmem>>, %arg8: memref<10240x16xf32, #tpu.memory_space<vmem_shared>>) attributes {dimension_semantics = [#tpu.dimension_semantics<core_parallel>, #tpu.dimension_semantics<subcore_parallel>], iteration_bounds = array<i64: 2, 16>, scalar_prefetch = 0 : i64, scratch_operands = 3 : i64, tpu.core_type = #tpu.core_type<sc_vector_subcore>, window_params = [{transform_indices = #map}, {transform_indices = #map}, {transform_indices = #map}, {transform_indices = #map1}]} {
    %mul3A = arith.constant 16 : i32
    %mul3A_0 = arith.muli %arg0, %mul3A : i32
    %add3A = arith.addi %mul3A_0, %arg1 : i32
    %mul3A_1 = arith.constant 640 : i32
    %mul3A_2 = arith.muli %arg1, %mul3A_1 : i32
    %mul3A_3 = arith.constant 640 : i32
    %mul3A_4 = arith.muli %arg1, %mul3A_3 : i32
    "tpu.region"() ({
      %run_scoped3A = tpu.sem_alloc : memref<!tpu.dma_semaphore, #tpu.memory_space<semaphore_mem>>
      %dma_start3A = arith.constant 0 : i32
      %dma_start3A_16 = tpu.memref_slice %arg8[%mul3A_4, %dma_start3A] : memref<10240x16xf32, #tpu.memory_space<vmem_shared>> -> memref<640x16xf32, #tpu.memory_space<vmem_shared>>
      %dma_start3A_17 = arith.constant 0 : i32
      %dma_start3A_18 = tpu.memref_slice %arg3[%mul3A_2, %dma_start3A_17] : memref<10240x16xf32, #tpu.memory_space<hbm>> -> memref<640x16xf32, #tpu.memory_space<hbm>>
      tpu.enqueue_dma source(%dma_start3A_18 : memref<640x16xf32, #tpu.memory_space<hbm>>) target(%dma_start3A_16 : memref<640x16xf32, #tpu.memory_space<vmem_shared>>) target_semaphore(%run_scoped3A : memref<!tpu.dma_semaphore, #tpu.memory_space<semaphore_mem>>)
      %dma_wait3A = arith.constant 0 : i32
      %dma_wait3A_19 = tpu.memref_slice %arg8[%mul3A_4, %dma_wait3A] : memref<10240x16xf32, #tpu.memory_space<vmem_shared>> -> memref<640x16xf32, #tpu.memory_space<vmem_shared>>
      %dma_wait3A_20 = arith.constant 0 : i32
      %dma_wait3A_21 = tpu.memref_slice %arg3[%mul3A_2, %dma_wait3A_20] : memref<10240x16xf32, #tpu.memory_space<hbm>> -> memref<640x16xf32, #tpu.memory_space<hbm>>
      tpu.wait_dma2 semaphore(%run_scoped3A : memref<!tpu.dma_semaphore, #tpu.memory_space<semaphore_mem>>) src(%dma_wait3A_21 : memref<640x16xf32, #tpu.memory_space<hbm>>) dst(%dma_wait3A_19 : memref<640x16xf32, #tpu.memory_space<vmem_shared>>)
      tpu.yield
    }) : () -> ()
    "tpu.region"() ({
      %run_scoped3A = tpu.sem_alloc : memref<!tpu.dma_semaphore, #tpu.memory_space<semaphore_mem>>
      tpu.enqueue_dma source(%arg4 : memref<128x16xf32, #tpu.memory_space<hbm>>) target(%arg7 : memref<128x16xf32, #tpu.memory_space<vmem>>) target_semaphore(%run_scoped3A : memref<!tpu.dma_semaphore, #tpu.memory_space<semaphore_mem>>)
      tpu.wait_dma2 semaphore(%run_scoped3A : memref<!tpu.dma_semaphore, #tpu.memory_space<semaphore_mem>>) src(%arg4 : memref<128x16xf32, #tpu.memory_space<hbm>>) dst(%arg7 : memref<128x16xf32, #tpu.memory_space<vmem>>)
      tpu.yield
    }) : () -> ()
    %mul3A_5 = arith.constant 80 : i32
    %mul3A_6 = arith.muli %add3A, %mul3A_5 : i32
    "tpu.region"() ({
      %run_scoped3A = tpu.sem_alloc : memref<!tpu.dma_semaphore, #tpu.memory_space<semaphore_mem>>
      %dma_start3A = arith.constant 0 : i32
      %dma_start3A_16 = tpu.memref_slice %arg2[%mul3A_6, %dma_start3A] : memref<2568x128xi32, #tpu.memory_space<hbm>> -> memref<80x128xi32, #tpu.memory_space<hbm>>
      %dma_start3A_17 = arith.constant 0 : i32
      %dma_start3A_18 = tpu.memref_slice %arg2[%mul3A_6, %dma_start3A_17] : memref<2568x128xi32, #tpu.memory_space<hbm>> -> memref<80x128xi32, #tpu.memory_space<hbm>>
      tpu.enqueue_dma source(%dma_start3A_18 : memref<80x128xi32, #tpu.memory_space<hbm>>) target(%arg6 : memref<80x128xi32, #tpu.memory_space<vmem>>) target_semaphore(%run_scoped3A : memref<!tpu.dma_semaphore, #tpu.memory_space<semaphore_mem>>)
      %dma_wait3A = arith.constant 0 : i32
      %dma_wait3A_19 = tpu.memref_slice %arg2[%mul3A_6, %dma_wait3A] : memref<2568x128xi32, #tpu.memory_space<hbm>> -> memref<80x128xi32, #tpu.memory_space<hbm>>
      %dma_wait3A_20 = arith.constant 0 : i32
      %dma_wait3A_21 = tpu.memref_slice %arg2[%mul3A_6, %dma_wait3A_20] : memref<2568x128xi32, #tpu.memory_space<hbm>> -> memref<80x128xi32, #tpu.memory_space<hbm>>
      tpu.wait_dma2 semaphore(%run_scoped3A : memref<!tpu.dma_semaphore, #tpu.memory_space<semaphore_mem>>) src(%dma_wait3A_21 : memref<80x128xi32, #tpu.memory_space<hbm>>) dst(%arg6 : memref<80x128xi32, #tpu.memory_space<vmem>>)
      tpu.yield
    }) : () -> ()
    %barrier3A = arith.constant 0 : index
    tpu.barrier barrier_id(%barrier3A)
    %scan3A = arith.constant 0 : i32
    %scan3A_7 = arith.constant 80 : i32
    %scan3A_8 = arith.addi %scan3A, %scan3A_7 : i32
    %scan3A_9 = arith.constant 1 : i32
    scf.for %scan3A_16 = %scan3A to %scan3A_8 step %scan3A_9  : i32 {
      %mul3A_17 = arith.constant 1 : i32
      %mul3A_18 = arith.muli %scan3A_16, %mul3A_17 : i32
      %add3A_19 = arith.constant 0 : i32
      %add3A_20 = arith.addi %add3A_19, %mul3A_18 : i32
      "tpu.region"() ({
        %run_scoped3A = tpu.sem_alloc : memref<!tpu.dma_semaphore, #tpu.memory_space<semaphore_mem>>
        %dma_start3A = arith.constant 0 : i32
        %dma_start3A_21 = tpu.memref_slice %arg6[%add3A_20, %dma_start3A] : memref<80x128xi32, #tpu.memory_space<vmem>> -> memref<1x128xi32, #tpu.memory_space<vmem>>
        %dma_start3A_22 = tpu.memref_squeeze %dma_start3A_21 : memref<1x128xi32, #tpu.memory_space<vmem>> -> memref<128xi32, #tpu.memory_space<vmem>>
        %dma_start3A_23 = arith.constant 0 : i32
        %dma_start3A_24 = arith.constant 0 : i32
        %dma_start3A_25 = tpu.memref_slice %arg8[%dma_start3A_23, %dma_start3A_24] : memref<10240x16xf32, #tpu.memory_space<vmem_shared>> -> memref<10240x16xf32, #tpu.memory_space<vmem_shared>>
        tpu.enqueue_indirect_dma source(%arg7 : memref<128x16xf32, #tpu.memory_space<vmem>>) target(%dma_start3A_25 : memref<10240x16xf32, #tpu.memory_space<vmem_shared>>) offsets(%dma_start3A_22 : memref<128xi32, #tpu.memory_space<vmem>>) semaphore(%run_scoped3A : memref<!tpu.dma_semaphore, #tpu.memory_space<semaphore_mem>>) {add = true}
        %dma_wait3A = arith.constant 0 : i32
        %dma_wait3A_26 = tpu.memref_slice %arg6[%add3A_20, %dma_wait3A] : memref<80x128xi32, #tpu.memory_space<vmem>> -> memref<1x128xi32, #tpu.memory_space<vmem>>
        %dma_wait3A_27 = tpu.memref_squeeze %dma_wait3A_26 : memref<1x128xi32, #tpu.memory_space<vmem>> -> memref<128xi32, #tpu.memory_space<vmem>>
        %dma_wait3A_28 = arith.constant 0 : i32
        %dma_wait3A_29 = arith.constant 0 : i32
        %dma_wait3A_30 = tpu.memref_slice %arg8[%dma_wait3A_28, %dma_wait3A_29] : memref<10240x16xf32, #tpu.memory_space<vmem_shared>> -> memref<10240x16xf32, #tpu.memory_space<vmem_shared>>
        tpu.wait_indirect_dma semaphore(%run_scoped3A : memref<!tpu.dma_semaphore, #tpu.memory_space<semaphore_mem>>) src(%arg7 : memref<128x16xf32, #tpu.memory_space<vmem>>) dst(%dma_wait3A_30 : memref<10240x16xf32, #tpu.memory_space<vmem_shared>>)
        tpu.yield
      }) : () -> ()
    }
    %scan3A_10 = arith.constant 80 : i32
    %barrier3A_11 = arith.constant 0 : index
    tpu.barrier barrier_id(%barrier3A_11)
    %mul3A_12 = arith.constant 640 : i32
    %mul3A_13 = arith.muli %arg1, %mul3A_12 : i32
    %mul3A_14 = arith.constant 640 : i32
    %mul3A_15 = arith.muli %arg1, %mul3A_14 : i32
    "tpu.region"() ({
      %run_scoped3A = tpu.sem_alloc : memref<!tpu.dma_semaphore, #tpu.memory_space<semaphore_mem>>
      %dma_start3A = arith.constant 0 : i32
      %dma_start3A_16 = tpu.memref_slice %arg5[%arg0, %mul3A_15, %dma_start3A] : memref<2x10240x16xf32, #tpu.memory_space<hbm>> -> memref<1x640x16xf32, #tpu.memory_space<hbm>>
      %dma_start3A_17 = tpu.memref_squeeze %dma_start3A_16 : memref<1x640x16xf32, #tpu.memory_space<hbm>> -> memref<640x16xf32, #tpu.memory_space<hbm>>
      %dma_start3A_18 = arith.constant 0 : i32
      %dma_start3A_19 = tpu.memref_slice %arg8[%mul3A_13, %dma_start3A_18] : memref<10240x16xf32, #tpu.memory_space<vmem_shared>> -> memref<640x16xf32, #tpu.memory_space<vmem_shared>>
      tpu.enqueue_dma source(%dma_start3A_19 : memref<640x16xf32, #tpu.memory_space<vmem_shared>>) target(%dma_start3A_17 : memref<640x16xf32, #tpu.memory_space<hbm>>) target_semaphore(%run_scoped3A : memref<!tpu.dma_semaphore, #tpu.memory_space<semaphore_mem>>)
      %dma_wait3A = arith.constant 0 : i32
      %dma_wait3A_20 = tpu.memref_slice %arg5[%arg0, %mul3A_15, %dma_wait3A] : memref<2x10240x16xf32, #tpu.memory_space<hbm>> -> memref<1x640x16xf32, #tpu.memory_space<hbm>>
      %dma_wait3A_21 = tpu.memref_squeeze %dma_wait3A_20 : memref<1x640x16xf32, #tpu.memory_space<hbm>> -> memref<640x16xf32, #tpu.memory_space<hbm>>
      %dma_wait3A_22 = arith.constant 0 : i32
      %dma_wait3A_23 = tpu.memref_slice %arg8[%mul3A_13, %dma_wait3A_22] : memref<10240x16xf32, #tpu.memory_space<vmem_shared>> -> memref<640x16xf32, #tpu.memory_space<vmem_shared>>
      tpu.wait_dma2 semaphore(%run_scoped3A : memref<!tpu.dma_semaphore, #tpu.memory_space<semaphore_mem>>) src(%dma_wait3A_23 : memref<640x16xf32, #tpu.memory_space<vmem_shared>>) dst(%dma_wait3A_21 : memref<640x16xf32, #tpu.memory_space<hbm>>)
      tpu.yield
    }) : () -> ()
    return
  }
}

#map = affine_map<(d0, d1) -> (0, 0)>
#map1 = affine_map<(d0, d1) -> (0, 0, 0)>
module attributes {stable_mosaic.version = 14 : i64} {
  func.func @_sc_propagate(%arg0: i32, %arg1: i32, %arg2: memref<10240x128xf32, #tpu.memory_space<hbm>>, %arg3: memref<2560x128xi32, #tpu.memory_space<hbm>>, %arg4: memref<2568x128xi32, #tpu.memory_space<hbm>>, %arg5: memref<10240x128xf32, #tpu.memory_space<hbm>>, %arg6: memref<2x10240x128xf32, #tpu.memory_space<hbm>>, %arg7: memref<80x128xi32, #tpu.memory_space<vmem>>, %arg8: memref<80x128xi32, #tpu.memory_space<vmem>>, %arg9: memref<128x128xf32, #tpu.memory_space<vmem>>, %arg10: memref<10240x128xf32, #tpu.memory_space<vmem_shared>>, %arg11: memref<!tpu.dma_semaphore, #tpu.memory_space<semaphore_mem>>) attributes {dimension_semantics = [#tpu.dimension_semantics<core_parallel>, #tpu.dimension_semantics<subcore_parallel>], iteration_bounds = array<i64: 2, 16>, scalar_prefetch = 0 : i64, scratch_operands = 5 : i64, tpu.core_type = #tpu.core_type<sc_vector_subcore>, window_params = [{transform_indices = #map}, {transform_indices = #map}, {transform_indices = #map}, {transform_indices = #map}, {transform_indices = #map1}]} {
    %mul3A = arith.constant 16 : i32
    %mul3A_0 = arith.muli %arg0, %mul3A : i32
    %add3A = arith.addi %mul3A_0, %arg1 : i32
    %mul3A_1 = arith.constant 640 : i32
    %mul3A_2 = arith.muli %arg1, %mul3A_1 : i32
    %mul3A_3 = arith.constant 640 : i32
    %mul3A_4 = arith.muli %arg1, %mul3A_3 : i32
    "tpu.region"() ({
      %run_scoped3A = tpu.sem_alloc : memref<!tpu.dma_semaphore, #tpu.memory_space<semaphore_mem>>
      %dma_start3A = arith.constant 0 : i32
      %dma_start3A_18 = tpu.memref_slice %arg10[%mul3A_4, %dma_start3A] : memref<10240x128xf32, #tpu.memory_space<vmem_shared>> -> memref<640x128xf32, #tpu.memory_space<vmem_shared>>
      %dma_start3A_19 = arith.constant 0 : i32
      %dma_start3A_20 = tpu.memref_slice %arg5[%mul3A_2, %dma_start3A_19] : memref<10240x128xf32, #tpu.memory_space<hbm>> -> memref<640x128xf32, #tpu.memory_space<hbm>>
      tpu.enqueue_dma source(%dma_start3A_20 : memref<640x128xf32, #tpu.memory_space<hbm>>) target(%dma_start3A_18 : memref<640x128xf32, #tpu.memory_space<vmem_shared>>) target_semaphore(%run_scoped3A : memref<!tpu.dma_semaphore, #tpu.memory_space<semaphore_mem>>)
      %dma_wait3A = arith.constant 0 : i32
      %dma_wait3A_21 = tpu.memref_slice %arg10[%mul3A_4, %dma_wait3A] : memref<10240x128xf32, #tpu.memory_space<vmem_shared>> -> memref<640x128xf32, #tpu.memory_space<vmem_shared>>
      %dma_wait3A_22 = arith.constant 0 : i32
      %dma_wait3A_23 = tpu.memref_slice %arg5[%mul3A_2, %dma_wait3A_22] : memref<10240x128xf32, #tpu.memory_space<hbm>> -> memref<640x128xf32, #tpu.memory_space<hbm>>
      tpu.wait_dma2 semaphore(%run_scoped3A : memref<!tpu.dma_semaphore, #tpu.memory_space<semaphore_mem>>) src(%dma_wait3A_23 : memref<640x128xf32, #tpu.memory_space<hbm>>) dst(%dma_wait3A_21 : memref<640x128xf32, #tpu.memory_space<vmem_shared>>)
      tpu.yield
    }) : () -> ()
    %mul3A_5 = arith.constant 80 : i32
    %mul3A_6 = arith.muli %add3A, %mul3A_5 : i32
    "tpu.region"() ({
      %run_scoped3A = tpu.sem_alloc : memref<!tpu.dma_semaphore, #tpu.memory_space<semaphore_mem>>
      %dma_start3A = arith.constant 0 : i32
      %dma_start3A_18 = tpu.memref_slice %arg3[%mul3A_6, %dma_start3A] : memref<2560x128xi32, #tpu.memory_space<hbm>> -> memref<80x128xi32, #tpu.memory_space<hbm>>
      %dma_start3A_19 = arith.constant 0 : i32
      %dma_start3A_20 = tpu.memref_slice %arg3[%mul3A_6, %dma_start3A_19] : memref<2560x128xi32, #tpu.memory_space<hbm>> -> memref<80x128xi32, #tpu.memory_space<hbm>>
      tpu.enqueue_dma source(%dma_start3A_20 : memref<80x128xi32, #tpu.memory_space<hbm>>) target(%arg7 : memref<80x128xi32, #tpu.memory_space<vmem>>) target_semaphore(%run_scoped3A : memref<!tpu.dma_semaphore, #tpu.memory_space<semaphore_mem>>)
      %dma_wait3A = arith.constant 0 : i32
      %dma_wait3A_21 = tpu.memref_slice %arg3[%mul3A_6, %dma_wait3A] : memref<2560x128xi32, #tpu.memory_space<hbm>> -> memref<80x128xi32, #tpu.memory_space<hbm>>
      %dma_wait3A_22 = arith.constant 0 : i32
      %dma_wait3A_23 = tpu.memref_slice %arg3[%mul3A_6, %dma_wait3A_22] : memref<2560x128xi32, #tpu.memory_space<hbm>> -> memref<80x128xi32, #tpu.memory_space<hbm>>
      tpu.wait_dma2 semaphore(%run_scoped3A : memref<!tpu.dma_semaphore, #tpu.memory_space<semaphore_mem>>) src(%dma_wait3A_23 : memref<80x128xi32, #tpu.memory_space<hbm>>) dst(%arg7 : memref<80x128xi32, #tpu.memory_space<vmem>>)
      tpu.yield
    }) : () -> ()
    %mul3A_7 = arith.constant 80 : i32
    %mul3A_8 = arith.muli %add3A, %mul3A_7 : i32
    "tpu.region"() ({
      %run_scoped3A = tpu.sem_alloc : memref<!tpu.dma_semaphore, #tpu.memory_space<semaphore_mem>>
      %dma_start3A = arith.constant 0 : i32
      %dma_start3A_18 = tpu.memref_slice %arg4[%mul3A_8, %dma_start3A] : memref<2568x128xi32, #tpu.memory_space<hbm>> -> memref<80x128xi32, #tpu.memory_space<hbm>>
      %dma_start3A_19 = arith.constant 0 : i32
      %dma_start3A_20 = tpu.memref_slice %arg4[%mul3A_8, %dma_start3A_19] : memref<2568x128xi32, #tpu.memory_space<hbm>> -> memref<80x128xi32, #tpu.memory_space<hbm>>
      tpu.enqueue_dma source(%dma_start3A_20 : memref<80x128xi32, #tpu.memory_space<hbm>>) target(%arg8 : memref<80x128xi32, #tpu.memory_space<vmem>>) target_semaphore(%run_scoped3A : memref<!tpu.dma_semaphore, #tpu.memory_space<semaphore_mem>>)
      %dma_wait3A = arith.constant 0 : i32
      %dma_wait3A_21 = tpu.memref_slice %arg4[%mul3A_8, %dma_wait3A] : memref<2568x128xi32, #tpu.memory_space<hbm>> -> memref<80x128xi32, #tpu.memory_space<hbm>>
      %dma_wait3A_22 = arith.constant 0 : i32
      %dma_wait3A_23 = tpu.memref_slice %arg4[%mul3A_8, %dma_wait3A_22] : memref<2568x128xi32, #tpu.memory_space<hbm>> -> memref<80x128xi32, #tpu.memory_space<hbm>>
      tpu.wait_dma2 semaphore(%run_scoped3A : memref<!tpu.dma_semaphore, #tpu.memory_space<semaphore_mem>>) src(%dma_wait3A_23 : memref<80x128xi32, #tpu.memory_space<hbm>>) dst(%arg8 : memref<80x128xi32, #tpu.memory_space<vmem>>)
      tpu.yield
    }) : () -> ()
    %barrier3A = arith.constant 0 : index
    tpu.barrier barrier_id(%barrier3A)
    %scan3A = arith.constant 0 : i32
    %scan3A_9 = arith.constant 80 : i32
    %scan3A_10 = arith.addi %scan3A, %scan3A_9 : i32
    %scan3A_11 = arith.constant 1 : i32
    scf.for %scan3A_18 = %scan3A to %scan3A_10 step %scan3A_11  : i32 {
      %mul3A_19 = arith.constant 1 : i32
      %mul3A_20 = arith.muli %scan3A_18, %mul3A_19 : i32
      %add3A_21 = arith.constant 0 : i32
      %add3A_22 = arith.addi %add3A_21, %mul3A_20 : i32
      %dma_start3A = arith.constant 0 : i32
      %dma_start3A_23 = tpu.memref_slice %arg7[%add3A_22, %dma_start3A] : memref<80x128xi32, #tpu.memory_space<vmem>> -> memref<1x128xi32, #tpu.memory_space<vmem>>
      %dma_start3A_24 = tpu.memref_squeeze %dma_start3A_23 : memref<1x128xi32, #tpu.memory_space<vmem>> -> memref<128xi32, #tpu.memory_space<vmem>>
      %dma_start3A_25 = arith.constant 0 : i32
      %dma_start3A_26 = arith.constant 0 : i32
      %dma_start3A_27 = tpu.memref_slice %arg2[%dma_start3A_25, %dma_start3A_26] : memref<10240x128xf32, #tpu.memory_space<hbm>> -> memref<10240x128xf32, #tpu.memory_space<hbm>>
      tpu.enqueue_indirect_dma source(%dma_start3A_27 : memref<10240x128xf32, #tpu.memory_space<hbm>>) target(%arg9 : memref<128x128xf32, #tpu.memory_space<vmem>>) offsets(%dma_start3A_24 : memref<128xi32, #tpu.memory_space<vmem>>) semaphore(%arg11 : memref<!tpu.dma_semaphore, #tpu.memory_space<semaphore_mem>>)
      %dma_wait3A = arith.constant 0 : i32
      %dma_wait3A_28 = tpu.memref_slice %arg7[%add3A_22, %dma_wait3A] : memref<80x128xi32, #tpu.memory_space<vmem>> -> memref<1x128xi32, #tpu.memory_space<vmem>>
      %dma_wait3A_29 = tpu.memref_squeeze %dma_wait3A_28 : memref<1x128xi32, #tpu.memory_space<vmem>> -> memref<128xi32, #tpu.memory_space<vmem>>
      %dma_wait3A_30 = arith.constant 0 : i32
      %dma_wait3A_31 = arith.constant 0 : i32
      %dma_wait3A_32 = tpu.memref_slice %arg2[%dma_wait3A_30, %dma_wait3A_31] : memref<10240x128xf32, #tpu.memory_space<hbm>> -> memref<10240x128xf32, #tpu.memory_space<hbm>>
      tpu.wait_indirect_dma semaphore(%arg11 : memref<!tpu.dma_semaphore, #tpu.memory_space<semaphore_mem>>) src(%dma_wait3A_32 : memref<10240x128xf32, #tpu.memory_space<hbm>>) dst(%arg9 : memref<128x128xf32, #tpu.memory_space<vmem>>)
      "tpu.region"() ({
        %run_scoped3A = tpu.sem_alloc : memref<!tpu.dma_semaphore, #tpu.memory_space<semaphore_mem>>
        %dma_start3A_33 = arith.constant 0 : i32
        %dma_start3A_34 = tpu.memref_slice %arg8[%add3A_22, %dma_start3A_33] : memref<80x128xi32, #tpu.memory_space<vmem>> -> memref<1x128xi32, #tpu.memory_space<vmem>>
        %dma_start3A_35 = tpu.memref_squeeze %dma_start3A_34 : memref<1x128xi32, #tpu.memory_space<vmem>> -> memref<128xi32, #tpu.memory_space<vmem>>
        %dma_start3A_36 = arith.constant 0 : i32
        %dma_start3A_37 = arith.constant 0 : i32
        %dma_start3A_38 = tpu.memref_slice %arg10[%dma_start3A_36, %dma_start3A_37] : memref<10240x128xf32, #tpu.memory_space<vmem_shared>> -> memref<10240x128xf32, #tpu.memory_space<vmem_shared>>
        tpu.enqueue_indirect_dma source(%arg9 : memref<128x128xf32, #tpu.memory_space<vmem>>) target(%dma_start3A_38 : memref<10240x128xf32, #tpu.memory_space<vmem_shared>>) offsets(%dma_start3A_35 : memref<128xi32, #tpu.memory_space<vmem>>) semaphore(%run_scoped3A : memref<!tpu.dma_semaphore, #tpu.memory_space<semaphore_mem>>) {add = true}
        %dma_wait3A_39 = arith.constant 0 : i32
        %dma_wait3A_40 = tpu.memref_slice %arg8[%add3A_22, %dma_wait3A_39] : memref<80x128xi32, #tpu.memory_space<vmem>> -> memref<1x128xi32, #tpu.memory_space<vmem>>
        %dma_wait3A_41 = tpu.memref_squeeze %dma_wait3A_40 : memref<1x128xi32, #tpu.memory_space<vmem>> -> memref<128xi32, #tpu.memory_space<vmem>>
        %dma_wait3A_42 = arith.constant 0 : i32
        %dma_wait3A_43 = arith.constant 0 : i32
        %dma_wait3A_44 = tpu.memref_slice %arg10[%dma_wait3A_42, %dma_wait3A_43] : memref<10240x128xf32, #tpu.memory_space<vmem_shared>> -> memref<10240x128xf32, #tpu.memory_space<vmem_shared>>
        tpu.wait_indirect_dma semaphore(%run_scoped3A : memref<!tpu.dma_semaphore, #tpu.memory_space<semaphore_mem>>) src(%arg9 : memref<128x128xf32, #tpu.memory_space<vmem>>) dst(%dma_wait3A_44 : memref<10240x128xf32, #tpu.memory_space<vmem_shared>>)
        tpu.yield
      }) : () -> ()
    }
    %scan3A_12 = arith.constant 80 : i32
    %barrier3A_13 = arith.constant 0 : index
    tpu.barrier barrier_id(%barrier3A_13)
    %mul3A_14 = arith.constant 640 : i32
    %mul3A_15 = arith.muli %arg1, %mul3A_14 : i32
    %mul3A_16 = arith.constant 640 : i32
    %mul3A_17 = arith.muli %arg1, %mul3A_16 : i32
    "tpu.region"() ({
      %run_scoped3A = tpu.sem_alloc : memref<!tpu.dma_semaphore, #tpu.memory_space<semaphore_mem>>
      %dma_start3A = arith.constant 0 : i32
      %dma_start3A_18 = tpu.memref_slice %arg6[%arg0, %mul3A_17, %dma_start3A] : memref<2x10240x128xf32, #tpu.memory_space<hbm>> -> memref<1x640x128xf32, #tpu.memory_space<hbm>>
      %dma_start3A_19 = tpu.memref_squeeze %dma_start3A_18 : memref<1x640x128xf32, #tpu.memory_space<hbm>> -> memref<640x128xf32, #tpu.memory_space<hbm>>
      %dma_start3A_20 = arith.constant 0 : i32
      %dma_start3A_21 = tpu.memref_slice %arg10[%mul3A_15, %dma_start3A_20] : memref<10240x128xf32, #tpu.memory_space<vmem_shared>> -> memref<640x128xf32, #tpu.memory_space<vmem_shared>>
      tpu.enqueue_dma source(%dma_start3A_21 : memref<640x128xf32, #tpu.memory_space<vmem_shared>>) target(%dma_start3A_19 : memref<640x128xf32, #tpu.memory_space<hbm>>) target_semaphore(%run_scoped3A : memref<!tpu.dma_semaphore, #tpu.memory_space<semaphore_mem>>)
      %dma_wait3A = arith.constant 0 : i32
      %dma_wait3A_22 = tpu.memref_slice %arg6[%arg0, %mul3A_17, %dma_wait3A] : memref<2x10240x128xf32, #tpu.memory_space<hbm>> -> memref<1x640x128xf32, #tpu.memory_space<hbm>>
      %dma_wait3A_23 = tpu.memref_squeeze %dma_wait3A_22 : memref<1x640x128xf32, #tpu.memory_space<hbm>> -> memref<640x128xf32, #tpu.memory_space<hbm>>
      %dma_wait3A_24 = arith.constant 0 : i32
      %dma_wait3A_25 = tpu.memref_slice %arg10[%mul3A_15, %dma_wait3A_24] : memref<10240x128xf32, #tpu.memory_space<vmem_shared>> -> memref<640x128xf32, #tpu.memory_space<vmem_shared>>
      tpu.wait_dma2 semaphore(%run_scoped3A : memref<!tpu.dma_semaphore, #tpu.memory_space<semaphore_mem>>) src(%dma_wait3A_25 : memref<640x128xf32, #tpu.memory_space<vmem_shared>>) dst(%dma_wait3A_23 : memref<640x128xf32, #tpu.memory_space<hbm>>)
      tpu.yield
    }) : () -> ()
    return
  }
}

module attributes {stable_mosaic.version = 14 : i64} {
  func.func @_prep_body(%arg0: i32, %arg1: memref<1024x128xf32, #tpu.memory_space<vmem>>, %arg2: memref<128x128xf32, #tpu.memory_space<vmem>>, %arg3: memref<1x128xf32, #tpu.memory_space<vmem>>, %arg4: memref<2x1024x16xf32, #tpu.memory_space<vmem>>, %arg5: memref<1024x128xf32, #tpu.memory_space<vmem>>, %arg6: memref<1024x128xf32, #tpu.memory_space<vmem>>, %arg7: memref<1024x1xf32, #tpu.memory_space<vmem>>) attributes {dimension_semantics = [#tpu.dimension_semantics<arbitrary>], iteration_bounds = array<i64: 10>, scalar_prefetch = 0 : i64, scratch_operands = 0 : i64, tpu.core_type = #tpu.core_type<tc>, window_params = [{transform_indices = @transform_0, window_bounds = array<i64: 1024, 128>}, {pipeline_mode = #tpu.pipeline_mode<synchronous>, transform_indices = @transform_1, window_bounds = array<i64: 128, 128>}, {pipeline_mode = #tpu.pipeline_mode<synchronous>, transform_indices = @transform_2, window_bounds = array<i64: 1, 128>}, {transform_indices = @transform_3, window_bounds = array<i64: 2, 1024, 16>}, {transform_indices = @transform_4, window_bounds = array<i64: 1024, 128>}, {transform_indices = @transform_5, window_bounds = array<i64: 1024, 128>}, {transform_indices = @transform_6, window_bounds = array<i64: 1024, 1>}]} {
    %get3A = arith.constant 0 : index
    %get3A_0 = arith.constant 0 : index
    %get3A_1 = vector.load %arg1[%get3A, %get3A_0] : memref<1024x128xf32, #tpu.memory_space<vmem>>, vector<1024x128xf32>
    %get3A_2 = arith.constant 0 : index
    %get3A_3 = arith.constant 0 : index
    %get3A_4 = vector.load %arg2[%get3A_2, %get3A_3] : memref<128x128xf32, #tpu.memory_space<vmem>>, vector<128x128xf32>
    %dot_general3A = arith.constant dense<0.000000e+00> : vector<1024x128xf32>
    %dot_general3A_5 = tpu.matmul %get3A_1, %get3A_4, %dot_general3A {dimension_numbers = #tpu.dot_dimension_numbers<[1], [0], [0], [1], [0, 0, 1, 1], [], []>, precision = #tpu.contract_precision<fp32>, transpose_lhs_hint = false} : vector<1024x128xf32>, vector<128x128xf32>, vector<1024x128xf32> -> vector<1024x128xf32>
    %get3A_6 = arith.constant 0 : index
    %get3A_7 = arith.constant 0 : index
    %get3A_8 = vector.load %arg3[%get3A_6, %get3A_7] : memref<1x128xf32, #tpu.memory_space<vmem>>, vector<1x128xf32>
    %add3A = vector.broadcast %get3A_8 : vector<1x128xf32> to vector<1024x128xf32>
    %add3A_9 = arith.addf %dot_general3A_5, %add3A : vector<1024x128xf32>
    %logistic3A = arith.negf %add3A_9 : vector<1024x128xf32>
    %logistic3A_10 = math.exp %logistic3A : vector<1024x128xf32>
    %logistic3A_11 = arith.constant 1.000000e+00 : f32
    %logistic3A_12 = vector.broadcast %logistic3A_11 : f32 to vector<1024x128xf32>
    %logistic3A_13 = arith.addf %logistic3A_12, %logistic3A_10 : vector<1024x128xf32>
    %logistic3A_14 = arith.divf %logistic3A_12, %logistic3A_13 : vector<1024x128xf32>
    %mul3A = arith.mulf %add3A_9, %logistic3A_14 : vector<1024x128xf32>
    %mul3A_15 = arith.mulf %mul3A, %mul3A : vector<1024x128xf32>
    %reduce_sum3A = arith.constant dense<0.000000e+00> : vector<1024xf32>
    %reduce_sum3A_16 = vector.multi_reduction <add>, %mul3A_15, %reduce_sum3A [1] : vector<1024x128xf32> to vector<1024xf32>
    %broadcast_in_dim3A = vector.shape_cast %reduce_sum3A_16 : vector<1024xf32> to vector<1024x1xf32>
    %sqrt3A = math.sqrt %broadcast_in_dim3A : vector<1024x1xf32>
    %max3A = arith.constant 9.99999996E-13 : f32
    %max3A_17 = vector.broadcast %max3A : f32 to vector<1024x1xf32>
    %max3A_18 = arith.maximumf %sqrt3A, %max3A_17 : vector<1024x1xf32>
    %div3A = vector.broadcast %max3A_18 : vector<1024x1xf32> to vector<1024x128xf32>
    %div3A_19 = arith.divf %mul3A, %div3A : vector<1024x128xf32>
    %mul3A_20 = arith.constant 1.800000e+00 : f32
    %mul3A_21 = vector.broadcast %mul3A_20 : f32 to vector<1024x128xf32>
    %mul3A_22 = arith.mulf %div3A_19, %mul3A_21 : vector<1024x128xf32>
    %get3A_23 = arith.constant 0 : index
    %get3A_24 = arith.constant 0 : index
    %get3A_25 = arith.constant 0 : index
    %get3A_26 = vector.load %arg4[%get3A_23, %get3A_24, %get3A_25] : memref<2x1024x16xf32, #tpu.memory_space<vmem>>, vector<2x1024x16xf32>
    %slice3A = vector.extract_strided_slice %get3A_26 {offsets = [0, 0, 0], sizes = [1, 1024, 1], strides = [1, 1, 1]} : vector<2x1024x16xf32> to vector<1x1024x1xf32>
    %squeeze3A = vector.shape_cast %slice3A : vector<1x1024x1xf32> to vector<1024x1xf32>
    %slice3A_27 = vector.extract_strided_slice %get3A_26 {offsets = [1, 0, 0], sizes = [1, 1024, 1], strides = [1, 1, 1]} : vector<2x1024x16xf32> to vector<1x1024x1xf32>
    %squeeze3A_28 = vector.shape_cast %slice3A_27 : vector<1x1024x1xf32> to vector<1024x1xf32>
    %add3A_29 = arith.addf %squeeze3A, %squeeze3A_28 : vector<1024x1xf32>
    %add3A_30 = arith.constant 1.000000e+00 : f32
    %add3A_31 = vector.broadcast %add3A_30 : f32 to vector<1024x1xf32>
    %add3A_32 = arith.addf %add3A_29, %add3A_31 : vector<1024x1xf32>
    %rsqrt3A = math.rsqrt %add3A_32 : vector<1024x1xf32>
    %mul3A_33 = arith.constant 1024 : i32
    %mul3A_34 = arith.muli %arg0, %mul3A_33 : i32
    %iota3A = tpu.iota {dimensions = array<i32: 0>} : vector<1024x1xi32>
    %add3A_35 = vector.broadcast %mul3A_34 : i32 to vector<1024x1xi32>
    %add3A_36 = arith.addi %add3A_35, %iota3A : vector<1024x1xi32>
    %lt3A = arith.constant 10000 : i32
    %lt3A_37 = vector.broadcast %lt3A : i32 to vector<1024x1xi32>
    %lt3A_38 = arith.cmpi slt, %add3A_36, %lt3A_37 : vector<1024x1xi32>
    %mul3A_39 = vector.broadcast %rsqrt3A : vector<1024x1xf32> to vector<1024x128xf32>
    %mul3A_40 = arith.mulf %mul3A_39, %mul3A_22 : vector<1024x128xf32>
    %jit3A = arith.constant 0.000000e+00 : f32
    %broadcast_in_dim3A_41 = vector.shape_cast %lt3A_38 : vector<1024x1xi1> to vector<1024x1xi1>
    %broadcast_in_dim3A_42 = vector.broadcast %broadcast_in_dim3A_41 : vector<1024x1xi1> to vector<1024x128xi1>
    %broadcast_in_dim3A_43 = vector.broadcast %jit3A : f32 to vector<1024x128xf32>
    %select_n3A = arith.select %broadcast_in_dim3A_42, %mul3A_40, %broadcast_in_dim3A_43 : vector<1024x128xi1>, vector<1024x128xf32>
    %swap3A = arith.constant 0 : index
    %swap3A_44 = arith.constant 0 : index
    %swap3A_45 = vector.load %arg5[%swap3A, %swap3A_44] : memref<1024x128xf32, #tpu.memory_space<vmem>>, vector<1024x128xf32>
    tpu.vector_store %arg5[%swap3A, %swap3A_44], %select_n3A {strides = array<i32>} : memref<1024x128xf32, #tpu.memory_space<vmem>>, vector<1024x128xf32>,
    %div3A_46 = arith.constant 0.899999976 : f32
    %div3A_47 = vector.broadcast %div3A_46 : f32 to vector<1024x1xf32>
    %div3A_48 = arith.divf %div3A_47, %add3A_32 : vector<1024x1xf32>
    %add3A_49 = arith.constant 1.000000e-01 : f32
    %add3A_50 = vector.broadcast %add3A_49 : f32 to vector<1024x1xf32>
    %add3A_51 = arith.addf %div3A_48, %add3A_50 : vector<1024x1xf32>
    %mul3A_52 = vector.broadcast %add3A_51 : vector<1024x1xf32> to vector<1024x128xf32>
    %mul3A_53 = arith.mulf %mul3A_52, %mul3A_22 : vector<1024x128xf32>
    %jit3A_54 = arith.constant 0.000000e+00 : f32
    %broadcast_in_dim3A_55 = vector.shape_cast %lt3A_38 : vector<1024x1xi1> to vector<1024x1xi1>
    %broadcast_in_dim3A_56 = vector.broadcast %broadcast_in_dim3A_55 : vector<1024x1xi1> to vector<1024x128xi1>
    %broadcast_in_dim3A_57 = vector.broadcast %jit3A_54 : f32 to vector<1024x128xf32>
    %select_n3A_58 = arith.select %broadcast_in_dim3A_56, %mul3A_53, %broadcast_in_dim3A_57 : vector<1024x128xi1>, vector<1024x128xf32>
    %swap3A_59 = arith.constant 0 : index
    %swap3A_60 = arith.constant 0 : index
    %swap3A_61 = vector.load %arg6[%swap3A_59, %swap3A_60] : memref<1024x128xf32, #tpu.memory_space<vmem>>, vector<1024x128xf32>
    tpu.vector_store %arg6[%swap3A_59, %swap3A_60], %select_n3A_58 {strides = array<i32>} : memref<1024x128xf32, #tpu.memory_space<vmem>>, vector<1024x128xf32>,
    %swap3A_62 = arith.constant 0 : index
    %swap3A_63 = arith.constant 0 : index
    %swap3A_64 = vector.load %arg7[%swap3A_62, %swap3A_63] : memref<1024x1xf32, #tpu.memory_space<vmem>>, vector<1024x1xf32>
    tpu.vector_store %arg7[%swap3A_62, %swap3A_63], %rsqrt3A {strides = array<i32>} : memref<1024x1xf32, #tpu.memory_space<vmem>>, vector<1024x1xf32>,
    return
  }
  func.func @transform_0(%arg0: i32) -> (i32, i32) {
    %c0_i32 = arith.constant 0 : i32
    %c0_i32_0 = arith.constant 0 : i32
    return %arg0, %c0_i32 : i32, i32
  }
  func.func @transform_1(%arg0: i32) -> (i32, i32) {
    %c0_i32 = arith.constant 0 : i32
    %c0_i32_0 = arith.constant 0 : i32
    %c0_i32_1 = arith.constant 0 : i32
    return %c0_i32, %c0_i32_0 : i32, i32
  }
  func.func @transform_2(%arg0: i32) -> (i32, i32) {
    %c0_i32 = arith.constant 0 : i32
    %c0_i32_0 = arith.constant 0 : i32
    %c0_i32_1 = arith.constant 0 : i32
    return %c0_i32, %c0_i32_0 : i32, i32
  }
  func.func @transform_3(%arg0: i32) -> (i32, i32, i32) {
    %c0_i32 = arith.constant 0 : i32
    %c0_i32_0 = arith.constant 0 : i32
    %c0_i32_1 = arith.constant 0 : i32
    return %c0_i32, %arg0, %c0_i32_0 : i32, i32, i32
  }
  func.func @transform_4(%arg0: i32) -> (i32, i32) {
    %c0_i32 = arith.constant 0 : i32
    %c0_i32_0 = arith.constant 0 : i32
    return %arg0, %c0_i32 : i32, i32
  }
  func.func @transform_5(%arg0: i32) -> (i32, i32) {
    %c0_i32 = arith.constant 0 : i32
    %c0_i32_0 = arith.constant 0 : i32
    return %arg0, %c0_i32 : i32, i32
  }
  func.func @transform_6(%arg0: i32) -> (i32, i32) {
    %c0_i32 = arith.constant 0 : i32
    %c0_i32_0 = arith.constant 0 : i32
    return %arg0, %c0_i32 : i32, i32
  }
}

module attributes {stable_mosaic.version = 14 : i64} {
  func.func @_comb_body(%arg0: i32, %arg1: memref<2x1024x128xf32, #tpu.memory_space<vmem>>, %arg2: memref<1024x128xf32, #tpu.memory_space<vmem>>, %arg3: memref<1024x1xf32, #tpu.memory_space<vmem>>, %arg4: memref<1024x1xi32, #tpu.memory_space<vmem>>, %arg5: memref<1024x128xf32, #tpu.memory_space<vmem>>, %arg6: memref<128x128xf32, #tpu.memory_space<vmem>>) attributes {dimension_semantics = [#tpu.dimension_semantics<arbitrary>], iteration_bounds = array<i64: 10>, scalar_prefetch = 0 : i64, scratch_operands = 0 : i64, tpu.core_type = #tpu.core_type<tc>, window_params = [{transform_indices = @transform_0, window_bounds = array<i64: 2, 1024, 128>}, {transform_indices = @transform_1, window_bounds = array<i64: 1024, 128>}, {transform_indices = @transform_2, window_bounds = array<i64: 1024, 1>}, {transform_indices = @transform_3, window_bounds = array<i64: 1024, 1>}, {transform_indices = @transform_4, window_bounds = array<i64: 1024, 128>}, {pipeline_mode = #tpu.pipeline_mode<synchronous>, transform_indices = @transform_5, window_bounds = array<i64: 128, 128>}]} {
    %get3A = arith.constant 0 : index
    %get3A_0 = arith.constant 0 : index
    %get3A_1 = arith.constant 0 : index
    %get3A_2 = vector.load %arg1[%get3A, %get3A_0, %get3A_1] : memref<2x1024x128xf32, #tpu.memory_space<vmem>>, vector<2x1024x128xf32>
    %get3A_3 = arith.constant 0 : index
    %get3A_4 = arith.constant 0 : index
    %get3A_5 = vector.load %arg3[%get3A_3, %get3A_4] : memref<1024x1xf32, #tpu.memory_space<vmem>>, vector<1024x1xf32>
    %mul3A = arith.constant 0.899999976 : f32
    %mul3A_6 = vector.broadcast %mul3A : f32 to vector<1024x1xf32>
    %mul3A_7 = arith.mulf %mul3A_6, %get3A_5 : vector<1024x1xf32>
    %slice3A = vector.extract_strided_slice %get3A_2 {offsets = [0, 0, 0], sizes = [1, 1024, 128], strides = [1, 1, 1]} : vector<2x1024x128xf32> to vector<1x1024x128xf32>
    %squeeze3A = vector.shape_cast %slice3A : vector<1x1024x128xf32> to vector<1024x128xf32>
    %slice3A_8 = vector.extract_strided_slice %get3A_2 {offsets = [1, 0, 0], sizes = [1, 1024, 128], strides = [1, 1, 1]} : vector<2x1024x128xf32> to vector<1x1024x128xf32>
    %squeeze3A_9 = vector.shape_cast %slice3A_8 : vector<1x1024x128xf32> to vector<1024x128xf32>
    %add3A = arith.addf %squeeze3A, %squeeze3A_9 : vector<1024x128xf32>
    %mul3A_10 = vector.broadcast %mul3A_7 : vector<1024x1xf32> to vector<1024x128xf32>
    %mul3A_11 = arith.mulf %mul3A_10, %add3A : vector<1024x128xf32>
    %get3A_12 = arith.constant 0 : index
    %get3A_13 = arith.constant 0 : index
    %get3A_14 = vector.load %arg2[%get3A_12, %get3A_13] : memref<1024x128xf32, #tpu.memory_space<vmem>>, vector<1024x128xf32>
    %add3A_15 = arith.addf %mul3A_11, %get3A_14 : vector<1024x128xf32>
    %swap3A = arith.constant 0 : index
    %swap3A_16 = arith.constant 0 : index
    %swap3A_17 = vector.load %arg5[%swap3A, %swap3A_16] : memref<1024x128xf32, #tpu.memory_space<vmem>>, vector<1024x128xf32>
    tpu.vector_store %arg5[%swap3A, %swap3A_16], %add3A_15 {strides = array<i32>} : memref<1024x128xf32, #tpu.memory_space<vmem>>, vector<1024x128xf32>,
    %get3A_18 = arith.constant 0 : index
    %get3A_19 = arith.constant 0 : index
    %get3A_20 = vector.load %arg4[%get3A_18, %get3A_19] : memref<1024x1xi32, #tpu.memory_space<vmem>>, vector<1024x1xi32>
    %iota3A = tpu.iota {dimensions = array<i32: 1>} : vector<1024x128xi32>
    %eq3A = vector.broadcast %get3A_20 : vector<1024x1xi32> to vector<1024x128xi32>
    %eq3A_21 = arith.cmpi eq, %eq3A, %iota3A : vector<1024x128xi32>
    %convert_element_type3A = arith.extui %eq3A_21 : vector<1024x128xi1> to vector<1024x128xi32>
    %convert_element_type3A_22 = arith.sitofp %convert_element_type3A : vector<1024x128xi32> to vector<1024x128xf32>
    %eq3A_23 = arith.constant 0 : i32
    %eq3A_24 = arith.cmpi eq, %arg0, %eq3A_23 : i32
    %convert_element_type3A_25 = arith.extui %eq3A_24 : i1 to i32
    %cond3A = arith.constant 0 : i32
    %cond3A_26 = arith.cmpi ne, %convert_element_type3A_25, %cond3A : i32
    scf.if %cond3A_26 {
      %broadcast_in_dim3A = arith.constant 0.000000e+00 : f32
      %broadcast_in_dim3A_35 = vector.broadcast %broadcast_in_dim3A : f32 to vector<128x128xf32>
      %swap3A_36 = arith.constant 0 : index
      %swap3A_37 = arith.constant 0 : index
      %swap3A_38 = vector.load %arg6[%swap3A_36, %swap3A_37] : memref<128x128xf32, #tpu.memory_space<vmem>>, vector<128x128xf32>
      tpu.vector_store %arg6[%swap3A_36, %swap3A_37], %broadcast_in_dim3A_35 {strides = array<i32>} : memref<128x128xf32, #tpu.memory_space<vmem>>, vector<128x128xf32>,
    } else {
    }
    %get3A_27 = arith.constant 0 : index
    %get3A_28 = arith.constant 0 : index
    %get3A_29 = vector.load %arg6[%get3A_27, %get3A_28] : memref<128x128xf32, #tpu.memory_space<vmem>>, vector<128x128xf32>
    %dot_general3A = arith.constant dense<0.000000e+00> : vector<128x128xf32>
    %dot_general3A_30 = tpu.matmul %convert_element_type3A_22, %add3A_15, %dot_general3A {dimension_numbers = #tpu.dot_dimension_numbers<[0], [0], [1], [1], [0, 1, 1, 1], [], []>, precision = #tpu.contract_precision<fp32>, transpose_lhs_hint = false} : vector<1024x128xf32>, vector<1024x128xf32>, vector<128x128xf32> -> vector<128x128xf32>
    %add3A_31 = arith.addf %get3A_29, %dot_general3A_30 : vector<128x128xf32>
    %swap3A_32 = arith.constant 0 : index
    %swap3A_33 = arith.constant 0 : index
    %swap3A_34 = vector.load %arg6[%swap3A_32, %swap3A_33] : memref<128x128xf32, #tpu.memory_space<vmem>>, vector<128x128xf32>
    tpu.vector_store %arg6[%swap3A_32, %swap3A_33], %add3A_31 {strides = array<i32>} : memref<128x128xf32, #tpu.memory_space<vmem>>, vector<128x128xf32>,
    return
  }
  func.func @transform_0(%arg0: i32) -> (i32, i32, i32) {
    %c0_i32 = arith.constant 0 : i32
    %c0_i32_0 = arith.constant 0 : i32
    %c0_i32_1 = arith.constant 0 : i32
    return %c0_i32, %arg0, %c0_i32_0 : i32, i32, i32
  }
  func.func @transform_1(%arg0: i32) -> (i32, i32) {
    %c0_i32 = arith.constant 0 : i32
    %c0_i32_0 = arith.constant 0 : i32
    return %arg0, %c0_i32 : i32, i32
  }
  func.func @transform_2(%arg0: i32) -> (i32, i32) {
    %c0_i32 = arith.constant 0 : i32
    %c0_i32_0 = arith.constant 0 : i32
    return %arg0, %c0_i32 : i32, i32
  }
  func.func @transform_3(%arg0: i32) -> (i32, i32) {
    %c0_i32 = arith.constant 0 : i32
    %c0_i32_0 = arith.constant 0 : i32
    return %arg0, %c0_i32 : i32, i32
  }
  func.func @transform_4(%arg0: i32) -> (i32, i32) {
    %c0_i32 = arith.constant 0 : i32
    %c0_i32_0 = arith.constant 0 : i32
    return %arg0, %c0_i32 : i32, i32
  }
  func.func @transform_5(%arg0: i32) -> (i32, i32) {
    %c0_i32 = arith.constant 0 : i32
    %c0_i32_0 = arith.constant 0 : i32
    %c0_i32_1 = arith.constant 0 : i32
    return %c0_i32, %c0_i32_0 : i32, i32
  }
}

</mosaic_0001>

<sc_bundles>
// kernel: kernel.6.cloned.1.call-start
scs
__scs_entry_jumppad:
0x0: {  	(pc) =	sbr.rel $0x88, $3  }
0x1: {  	(tag) =	ssettag $0x0;
	lr =	simm.s32 $0x1  }
0x2: {  	[smem:$0x3F9C] =	sst lr;
	_ =	strace $0xD0000000  }
0x3: {  	_ = 	snop  }
0x4: {  	_ = 	snop  }
0x5: {  	_ = 	snop  }
0x6: {  	_ = 	snop  }
0x7: {  	_ = 	snop  }
__scs_overlays_trampoline_lowered:
0x8: {  	[smem:$0x3FAB] =	sst s0  }
0x9: {  	[smem:$0x3FAC] =	sst s1  }
0xa: {  	[smem:$0x3FAD] =	sst s2  }
0xb: {  	[smem:$0x3FAE] =	sst s3  }
0xc: {  	[smem:$0x3FAF] =	sst s4  }
0xd: {  	[smem:$0x3FB0] =	sst s5  }
0xe: {  	[smem:$0x3FB1] =	sst s6  }
0xf: {  	[smem:$0x3FB2] =	sst s7  }
0x10: {  	[smem:$0x3FB3] =	sst s8  }
0x11: {  	[smem:$0x3FB4] =	sst s9;
	s0 =	simm.s32 @!p0 $0x0  }
0x12: {  	s1 =	sld [smem:$0x3F9A];
	s0 =	simm.s32 @p0 $0x1  }
0x13: {  	[smem:$0x3FB5] =	sst s0;
	s0 =	simm.s32 @!p1 $0x0  }
0x14: {  	s2 =	sld [smem:$0x3F99];
	s0 =	simm.s32 @p1 $0x1  }
0x15: {  	[smem:$0x3FB6] =	sst s0;
	s0 =	simm.s32 @!p2 $0x0  }
0x16: {  	s3 =	sld [smem:$0x3FDB];
	s0 =	simm.s32 @p2 $0x1  }
0x17: {  	s4 =	simm.s32 $0x1BF5;
	[smem:$0x3FB8] =	sst s0  }
0x18: {  	s0 =	sld [smem:$0x3F9B];
	_ =	swait.ge [sflag:s4], $0x0  }
0x19: {  	s7 =	sld [smem:$0x3F9C]  }
0x1a: {  	s8 =	sadd.s32 $0xFFFFE003, lr  }
0x1b: {  	s9 =	sadd.s32 $0xFFFFFEF7, lr;
	s5 =	simm.s32 $0xFFFFFFFF;
	p2 =	slt.u32 s8, $0xFFFFF086  }
0x1c: {  	p1 =	slt.u32 s9, $0xF7A;
	s5 =	simm.s32 @!p2 $0x0  }
0x1d: {  	s5 =	simm.s32 @p1 $0x1;
	p0 =	seq.s32 s7, s2  }
0x1e: {  	s7 =	smul.u32 @!p0 $0xF7A, s2;
	p2 =	seq.s32 @!p0 s5, $0x0  }
0x1f: {  	s9 =	smul.u32 $0xF7A, s1;
	s8 =	simm.s32 @!p0 $0x1BF5;
	p2 =	por !p2, p0  }
0x20: {  	[sflag:s8] =	ssyncset.s32 @!p0 $0xFFFFF086;
	s6 =	sadd.s32 @!p0 s3, s7;
	s7 =	simm.s32 @!p0 $0x108  }
0x21: {  	s3 =	sadd.s32 s3, s9;
	s6 =	sadd.s32 @!p0 $0x88, s6;
	s7 =	simm.s32 @p2 $0x1082  }
0x22: {  	[simem:s7], [sflag:s8] =	dma.local @!p0 [hbm:s6], $0xF7A  }
0x23: {  	s9 =	sor.u32 $0xD0000000, s2;
	s6 =	simm.s32 $0x108;
	_ =	swait.ge @!p0 [sflag:s8], $0x0  }
0x24: {  	s3 =	sadd.s32 $0x88, s3;
	s6 =	simm.s32 @!p1 $0x1082;
	[sflag:s4] =	ssyncset.s32 $0xFFFFF086  }
0x25: {  	[simem:s6], [sflag:s4] =	dma.local [hbm:s3], $0xF7A  }
0x26: {  	[smem:$0x3F9C] =	sst s1;
	(tag) =	ssettag s2;
	_ =	strace s9  }
0x27: {  	s1 =	sld [smem:$0x3FAC]  }
0x28: {  	s2 =	sld [smem:$0x3FAD]  }
0x29: {  	s4 =	sld [smem:$0x3FAF]  }
0x2a: {  	p0 =	seq.s32 s5, $0x0;
	s5 =	sld [smem:$0x3FB0]  }
0x2b: {  	s6 =	sld [smem:$0x3FB1]  }
0x2c: {  	s7 =	sld [smem:$0x3FB2]  }
0x2d: {  	s3 =	simm.s32 $0x108;
	s8 =	sld [smem:$0x3FB3]  }
0x2e: {  	s3 =	simm.s32 @!p0 $0x1082;
	s9 =	sld [smem:$0x3FB4]  }
0x2f: {  	lr =	sadd.s32 s0, s3;
	s0 =	sld [smem:$0x3FAB]  }
0x30: {  	s3 =	sld [smem:$0x3FAE]  }
0x31: {  	[smem:$0x3FB7] =	sst s10  }
0x32: {  	s10 =	sld [smem:$0x3FB5];
	_ =	sdelay $0x3  }
0x33: {  	p0 =	seq.s32 s10, $0x1;
	s10 =	sld [smem:$0x3FB7];
	_ =	sdelay $0x3  }
0x34: {  	[smem:$0x3FB7] =	sst s10  }
0x35: {  	s10 =	sld [smem:$0x3FB6];
	_ =	sdelay $0x3  }
0x36: {  	p1 =	seq.s32 s10, $0x1;
	s10 =	sld [smem:$0x3FB7];
	_ =	sdelay $0x3  }
0x37: {  	[smem:$0x3FB7] =	sst s10  }
0x38: {  	s10 =	sld [smem:$0x3FB8]  }
0x39: {  	_ = 	snop;
	(pc) =	sbr.ind lr, $3  }
0x3a: {  	_ = 	snop  }
0x3b: {  	_ = 	snop  }
0x3c: {  	p2 =	seq.s32 s10, $0x1;
	s10 =	sld [smem:$0x3FB7]  }
0x3d: {  	_ =	shalt  }
0x3e: {  	_ =	shalt  }
0x3f: {  	_ =	shalt  }
0x40: {  	_ =	shalt  }
0x41: {  	_ =	shalt  }
0x42: {  	_ =	shalt  }
0x43: {  	_ =	shalt  }
0x44: {  	_ =	shalt  }
0x45: {  	_ =	shalt  }
0x46: {  	_ =	shalt  }
0x47: {  	_ =	shalt  }
0x48: {  	_ =	shalt  }
0x49: {  	_ =	shalt  }
0x4a: {  	_ =	shalt  }
0x4b: {  	_ =	shalt  }
0x4c: {  	_ =	shalt  }
0x4d: {  	_ =	shalt  }
0x4e: {  	_ =	shalt  }
0x4f: {  	_ =	shalt  }
0x50: {  	_ =	shalt  }
0x51: {  	_ =	shalt  }
0x52: {  	_ =	shalt  }
0x53: {  	_ =	shalt  }
0x54: {  	_ =	shalt  }
0x55: {  	_ =	shalt  }
0x56: {  	_ =	shalt  }
0x57: {  	_ =	shalt  }
0x58: {  	_ =	shalt  }
0x59: {  	_ =	shalt  }
0x5a: {  	_ =	shalt  }
0x5b: {  	_ =	shalt  }
0x5c: {  	_ =	shalt  }
0x5d: {  	_ =	shalt  }
0x5e: {  	_ =	shalt  }
0x5f: {  	_ =	shalt  }
0x60: {  	_ =	shalt  }
0x61: {  	_ =	shalt  }
0x62: {  	_ =	shalt  }
0x63: {  	_ =	shalt  }
0x64: {  	_ =	shalt  }
0x65: {  	_ =	shalt  }
0x66: {  	_ =	shalt  }
0x67: {  	_ =	shalt  }
0x68: {  	_ =	shalt  }
0x69: {  	_ =	shalt  }
0x6a: {  	_ =	shalt  }
0x6b: {  	_ =	shalt  }
0x6c: {  	_ =	shalt  }
0x6d: {  	_ =	shalt  }
0x6e: {  	_ =	shalt  }
0x6f: {  	_ =	shalt  }
0x70: {  	_ =	shalt  }
0x71: {  	_ =	shalt  }
0x72: {  	_ =	shalt  }
0x73: {  	_ =	shalt  }
0x74: {  	_ =	shalt  }
0x75: {  	_ =	shalt  }
0x76: {  	_ =	shalt  }
0x77: {  	_ =	shalt  }
0x78: {  	_ =	shalt  }
0x79: {  	_ =	shalt  }
0x7a: {  	_ =	shalt  }
0x7b: {  	_ =	shalt  }
0x7c: {  	_ =	shalt  }
0x7d: {  	_ =	shalt  }
0x7e: {  	_ =	shalt  }
0x7f: {  	_ =	shalt  }
0x80: {  	_ =	shalt  }
0x81: {  	_ =	shalt  }
0x82: {  	_ =	shalt  }
0x83: {  	_ =	shalt  }
0x84: {  	_ =	shalt  }
0x85: {  	_ =	shalt  }
0x86: {  	_ =	shalt  }
0x87: {  	_ =	shalt  }
.Lfunc_end0:
.L_simem_size_0:
called_computation_lowered:
.L_overlay_start_0:
0x88: {  	s2 =	sld [smem:$0x3FD9]  }
0x89: {  	s3 =	sld [smem:$0x3FFE];
	_ =	sdelay $0x1  }
0x8a: {  	s1 =	srdreg.scid  }
0x8b: {  	s0 =	sand.u32 $0x1, s1  }
0x8c: {  	s14 =	sshll.u32 s0, $0xA;
	s2 =	sadd.s32 s3, s2  }
0x8d: {  	s2 =	sadd.s32 s2, s14  }
0x8e: {  	[smem:$0x3FC3] =	sst s2  }
0x8f: {  	_ = 	snop  }
0x90: {  	s2 =	sld [smem:$0x3FD0];
	_ =	sdelay $0x2  }
0x91: {  	s15 =	simm.s32 $0xA;
	s4 =	simm.s32 $0x10  }
0x92: {  	[smem:s4], [sflag:s15] =	dma.local [hbm:s2], $0x1  }
0x93: {  	_ =	swait.eq [sflag:s15], $0x1  }
0x94: {  	[sflag:s15] =	ssyncset.done $0x0  }
0x95: {  	s16 =	sld [smem:$0x10];
	[sflag:s15] =	ssyncadd.s32 $0xFFFFFFFF  }
0x96: {  	s17 =	sld [smem:$0x11];
	(tm) =	ssettm $0x1  }
0x97: {  	s18 =	sld [smem:$0x3FFB];
	_ =	sdelay $0x3  }
0x98: {  	_ =	strace s18  }
0x99: {  	s4 =	sld [smem:$0x3FFC];
	_ =	sdelay $0x3  }
0x9a: {  	_ =	strace s4  }
0x9b: {  	s4 =	sld [smem:$0x3FFD];
	_ =	sdelay $0x3  }
0x9c: {  	_ =	strace s4  }
0x9d: {  	_ =	strace $0x8FFFFFFF  }
0x9e: {  	s19 =	sld [smem:$0x3FDB];
	_ =	sdelay $0x1  }
0x9f: {  	s5 =	simm.s32 $_scs_section_size  }
0xa0: {  	s6 =	simm.s32 $_size__tile_overlayer_lowered;
	s7 =	simm.s32 $_tile_overlayer_lowered  }
0xa1: {  	s22 =	simm.s32 $0x1BFF;
	s21 =	sshll.u32 s7, $0x1;
	s4 =	sadd.s32 s5, s19  }
0xa2: {  	s8 =	simm.s32 $0x0;
	s20 =	sshll.u32 s6, $0x1;
	s6 =	sadd.s32 s21, s4  }
0xa3: {  	[timem:s8], [sflag:s22] =	dma.local [hbm:s6], s20  }
0xa4: {  	_ =	swait.ge [sflag:s22], s20  }
0xa5: {  	s5 =	ssub.s32 $0x0, s20;
	[sflag:s22] =	ssyncset.done $0x0  }
0xa6: {  	[sflag:s22] =	ssyncadd.s32 s5;
	_ =	sdelay $0x1  }
0xa7: {  	s23 =	simm.s32 $0x1B8B  }
0xa8: {  	_ =	swait.ge [sflag:s23], $0x1  }
0xa9: {  	[sflag:s23] =	ssyncset.done $0x0  }
0xaa: {  	s25 =	simm.s32 $0x1B8E;
	s24 =	sld [smem:$0x3FFE];
	[sflag:s23] =	ssyncadd.s32 $0xFFFFFFFF  }
0xab: {  	s26 =	simm.s32 $execute0_lowered;
	[smem:$0x3FD2] =	sst s25  }
0xac: {  	s6 =	sshll.u32 s26, $0x1;
	_ =	strace $0x80000046;
	[dreg:$0x1] =	wrdreg $0xFFFFFFFF  }
0xad: {  	s28 =	simm.s32 $_size_execute0_lowered;
	s4 =	sadd.s32 s4, s6;
	[dreg:$0x0] =	wrdreg $0x0  }
0xae: {  	s6 =	sshll.u32 s28, $0x1;
	[dreg:$0x2] =	wrdreg s4  }
0xaf: {  	[dreg:$0x3] =	wrdreg s6  }
0xb0: {  	[dreg:$0x4] =	wrdreg $0xC0  }
0xb1: {  	_ =	task [dreg:s8], $0x5FFFF  }
0xb2: {  	[dreg:$0x1] =	wrdreg $0xFFFFFFFF  }
0xb3: {  	[dreg:$0x0] =	wrdreg $0x60  }
0xb4: {  	[dreg:$0x2] =	wrdreg s16  }
0xb5: {  	[dreg:$0x3] =	wrdreg s24  }
0xb6: {  	[dreg:$0x4] =	wrdreg s17  }
0xb7: {  	[dreg:$0x5] =	wrdreg $0x68000  }
0xb8: {  	[dreg:$0x6] =	wrdreg $0x9  }
0xb9: {  	_ =	task.clear_ibuf [dreg:s8], $0x7FFFF;
	_ =	strace $0x90000046  }
0xba: {  	s29 =	simm.s32 $0x9;
	_ =	strace $0x80000048  }
0xbb: {  	_ =	swait.ge [sflag:s29], $0x1  }
0xbc: {  	[sflag:s29] =	ssyncadd.s32 $0xFFFFFFFF  }
0xbd: {  	_ =	strace $0x90000048  }
0xbe: {  	_ =	sfence  }
0xbf: {  	s30 =	sld [smem:$0x0];
	_ =	sdelay $0x2  }
0xc0: {  	s31 =	sshll.u32 s1, $0xD;
	s1 =	sshrl.u32 s1, $0x2  }
0xc1: {  	s3 =	sand.u32 $0x4000, s31;
	s1 =	sadd.s32 s1, s30  }
0xc2: {  	s0 =	sor.u32 s3, s0;
	s1 =	sshll.u32 s1, $0x11  }
0xc3: {  	s0 =	sor.u32 s1, s0  }
0xc4: {  	s0 =	sadd.s32 $0x8F2B, s0  }
0xc5: {  	[sflag:s0] =	ssyncadd.remote.s32 $0x1  }
0xc6: {  	_ =	sfence.sel $0xFFFF  }
0xc7: {  	[dreg:$0x0] =	wrdreg $0xFFFFFFFF;
	(pc) =	sbr.abs _section_cstart, $3  }
0xc8: {  	[dreg:$0x1] =	wrdreg $0xFFFFFFFF  }
0xc9: {  	_ =	task.clear_ibuf [dreg:s8], $0x2FFFF;
	_ =	strace $0x9FFFFFFF  }
0xca: {  	(tm) =	ssettm $0x7FFFFFFF  }
0xcb: {  	_ =	shalt  }
tec
execute0_lowered:
.L_overlay_start_1:
0x0: {  	(tag) =	ssettag $0x1  }
0x1: {  	s7 =	rddreg [dreg:$0x0]  }
0x2: {  	s5 =	rddreg [dreg:$0x1];
	s0 =	stileid.u32  }
0x3: {  	s1 =	srdreg.scid;
	s2 =	rddreg [dreg:$0x2]  }
0x4: {  	s3 =	rddreg [dreg:$0x3];
	s4 =	simm.s32 $0x0;
	s13 =	simm.s32 $0x80  }
0x5: {  	s6 =	smul.u32 $0x14000, s0;
	s8 =	sand.u32 $0x1, s1;
	s1 =	rddreg [dreg:$0x4]  }
0x6: {  	s14 =	simm.s32 $0x0;
	[smem:$0x7FF] =	sst s4;
	s11 =	smul.u32 $0x50000, s0  }
0x7: {  	s31 =	sshll.u32 s0, $0x6;
	s9 =	smul.u32 $0x140000, s8;
	_ =	strace $0x80000047  }
0x8: {  	s26 =	ssub.s32 $0x2, s8;
	s8 =	sshll.u32 s8, $0x4;
	s10 =	sshrl.u32 s6, $0x3  }
0x9: {  	s28 =	sshrl.u32 s26, $0x1;
	s29 =	sor.u32 s0, s8;
	s30 =	sshrl.u32 s11, $0x2  }
0xa: {  	s6 =	sadd.s32 s6, s9;
	s25 =	sadd.s32 s10, s5;
	s10 =	ssub.s32 s26, s28  }
0xb: {  	s8 =	smul.u32 $0x500, s29;
	s11 =	sadd.s32 s30, s3;
	s6 =	sshrl.u32 s6, $0x3  }
0xc: {  	s9 =	smax.u32 s10, $0x1;
	s10 =	sshrl.u32 s11, $0x3;
	s11 =	simm.s32 $0x1  }
0xd: {  	s12 =	sadd.s32 s6, s5;
	s5 =	sadd.s32 $0x1400, s25;
	s6 =	sor.u32 $0x1C01, s31  }
0xe: {  	s7 =	sadd.s32 s7, s8;
	s8 =	sadd.s32 $0x29400, s12;
	s12 =	simm.s32 $0x2800  }
.LBB2_1:
0xf: {  	[spmem:s10], [sflag:s6] =	dma.local [hbm:s5], $0x2800  }
0x10: {  	_ =	swait.ge [sflag:s11], $0x2800  }
0x11: {  	[sflag:s11] =	ssyncset.done $0x0  }
0x12: {  	[sflag:s11] =	ssyncadd.s32 $0xFFFFD800  }
0x13: {  	[tilespmem:s12], [sflag:$0x1] =	stream.linear.gather [hbm4b:s2+s4], $0x4000, $0x38;
	[tilespmem:$0x9000] =	vst v63  }
0x14: {  	_ =	swait.ge [sflag:s11], $0x4000  }
0x15: {  	[sflag:s11] =	ssyncset.done $0x0  }
0x16: {  	[sflag:s11] =	ssyncadd.s32 $0xFFFFC000  }
0x17: {  	[tilespmem:s4], [sflag:$0x1] =	stream.linear.gather [hbm4b:s7+s4], $0x2800, $0x38;
	[tilespmem:$0x9000] =	vst v63  }
0x18: {  	_ =	swait.ge [sflag:s11], $0x2800  }
0x19: {  	[sflag:s11] =	ssyncset.done $0x0  }
0x1a: {  	[sflag:s11] =	ssyncadd.s32 $0xFFFFD800  }
0x1b: {  	s15 =	simm.s32 $0x0;
	[bflag:$0x0] =	sbarrier.arrive $0xFFFF  }
0x1c: {  	[spmem:s3] =	stream.indirect.scatter.add.f32 [tilespmem:s12], [sflag:$0x1], $0x10, s15, s13, $0xb8;
	[tilespmem:$0x9000] =	vst v63  }
0x1d: {  	_ =	swait.ge [sflag:s11], $0x800  }
0x1e: {  	s15 =	simm.s32 $0x200;
	[sflag:s11] =	ssyncset.done $0x0  }
.LBB2_2:
0x1f: {  	s16 =	sshra.s32 s15, $0x2;
	[sflag:s11] =	ssyncadd.s32 $0xFFFFF800;
	p0 =	sne.s32 s15, $0x9E00  }
0x20: {  	[spmem:s3] =	stream.indirect.scatter.add.f32 [tilespmem:s12], [sflag:$0x1], $0x10, s16, s13, $0xb8;
	[tilespmem:$0x9000] =	vst v63  }
.Ltmp0:
0x21: {  	_ = 	snop;
	(pc) =	sbr.rel @p0 .LBB2_2-.Ltmp0, $4  }
0x22: {  	_ = 	snop  }
0x23: {  	s15 =	sadd.s32 $0x200, s15  }
0x24: {  	_ =	swait.ge [sflag:s11], $0x800  }
0x25: {  	[sflag:s11] =	ssyncset.done $0x0  }
0x26: {  	s14 =	sadd.s32 $0x1, s14  }
0x27: {  	[sflag:s11] =	ssyncadd.s32 $0xFFFFF800;
	p0 =	sne.s32 s14, s9  }
.Ltmp1:
0x28: {  	[bflag:$0x0] =	sbarrier.arrive $0xFFFF;
	(pc) =	sbr.rel @p0 .LBB2_1-.Ltmp1, $4  }
0x29: {  	[hbm:s8], [sflag:s6] =	dma.local [spmem:s10], $0x2800  }
0x2a: {  	_ =	swait.ge [sflag:s11], $0x2800  }
0x2b: {  	[sflag:s11] =	ssyncset.done $0x0  }
0x2c: {  	[sflag:s11] =	ssyncadd.s32 $0xFFFFD800  }
0x2d: {  	_ =	sfence.sel $0x180000  }
0x2e: {  	[bflag:$0x0] =	sbarrier.arrive $0xFFFF  }
0x2f: {  	p0 =	sne.s32 s0, $0x0;
	_ =	strace $0x90000047  }
0x30: {  	s0 =	sadd.s32 @!p0 $0x100000, s1;
	[bflag:$0x2] =	sbarrier.arrive $0xFFFF  }
0x31: {  	[sflag:s0] =	ssyncadd.tile.s32 @!p0 $0x1;
	_ =	shalt  }
.Lfunc_end2:
_tile_overlayer_lowered:
.L_overlay_start_2:
0x32: {  	(tag) =	ssettag $0x2  }
0x33: {  	s0 =	rddreg [dreg:$0x0];
	s2 =	stileid.u32  }
0x34: {  	s1 =	rddreg [dreg:$0x1];
	p0 =	sne.s32 s2, $0x0  }
0x35: {  	s3 =	rddreg [dreg:$0x2];
	[bflag:$0x3] =	sbarrier.arrive $0xFFFF;
	s2 =	simm.s32 @!p0 $0x1C01  }
0x36: {  	[timem:s3], [sflag:s2] =	dma.local @!p0 [hbm:s0], s1  }
0x37: {  	s0 =	simm.s32 @!p0 $0x1  }
0x38: {  	_ =	swait.ge @!p0 [sflag:s0], s1  }
0x39: {  	s1 =	ssub.s32 @!p0 $0x0, s1;
	[sflag:s0] =	ssyncset.done @!p0 $0x0  }
0x3a: {  	[sflag:s0] =	ssyncadd.s32 @!p0 s1  }
0x3b: {  	[bflag:$0x3] =	sbarrier.arrive $0xFFFF  }
0x3c: {  	_ =	shalt  }

// kernel: kernel.9.cloned.1.call-start
scs
__scs_entry_jumppad:
0x0: {  	(pc) =	sbr.rel $0x88, $3  }
0x1: {  	(tag) =	ssettag $0x0;
	lr =	simm.s32 $0x1  }
0x2: {  	[smem:$0x3F9C] =	sst lr;
	_ =	strace $0xD0000000  }
0x3: {  	_ = 	snop  }
0x4: {  	_ = 	snop  }
0x5: {  	_ = 	snop  }
0x6: {  	_ = 	snop  }
0x7: {  	_ = 	snop  }
__scs_overlays_trampoline_lowered:
0x8: {  	[smem:$0x3FAB] =	sst s0  }
0x9: {  	[smem:$0x3FAC] =	sst s1  }
0xa: {  	[smem:$0x3FAD] =	sst s2  }
0xb: {  	[smem:$0x3FAE] =	sst s3  }
0xc: {  	[smem:$0x3FAF] =	sst s4  }
0xd: {  	[smem:$0x3FB0] =	sst s5  }
0xe: {  	[smem:$0x3FB1] =	sst s6  }
0xf: {  	[smem:$0x3FB2] =	sst s7  }
0x10: {  	[smem:$0x3FB3] =	sst s8  }
0x11: {  	[smem:$0x3FB4] =	sst s9;
	s0 =	simm.s32 @!p0 $0x0  }
0x12: {  	s1 =	sld [smem:$0x3F9A];
	s0 =	simm.s32 @p0 $0x1  }
0x13: {  	[smem:$0x3FB5] =	sst s0;
	s0 =	simm.s32 @!p1 $0x0  }
0x14: {  	s2 =	sld [smem:$0x3F99];
	s0 =	simm.s32 @p1 $0x1  }
0x15: {  	[smem:$0x3FB6] =	sst s0;
	s0 =	simm.s32 @!p2 $0x0  }
0x16: {  	s3 =	sld [smem:$0x3FDB];
	s0 =	simm.s32 @p2 $0x1  }
0x17: {  	s4 =	simm.s32 $0x1BF5;
	[smem:$0x3FB8] =	sst s0  }
0x18: {  	s0 =	sld [smem:$0x3F9B];
	_ =	swait.ge [sflag:s4], $0x0  }
0x19: {  	s7 =	sld [smem:$0x3F9C]  }
0x1a: {  	s8 =	sadd.s32 $0xFFFFE003, lr  }
0x1b: {  	s9 =	sadd.s32 $0xFFFFFEF7, lr;
	s5 =	simm.s32 $0xFFFFFFFF;
	p2 =	slt.u32 s8, $0xFFFFF086  }
0x1c: {  	p1 =	slt.u32 s9, $0xF7A;
	s5 =	simm.s32 @!p2 $0x0  }
0x1d: {  	s5 =	simm.s32 @p1 $0x1;
	p0 =	seq.s32 s7, s2  }
0x1e: {  	s7 =	smul.u32 @!p0 $0xF7A, s2;
	p2 =	seq.s32 @!p0 s5, $0x0  }
0x1f: {  	s9 =	smul.u32 $0xF7A, s1;
	s8 =	simm.s32 @!p0 $0x1BF5;
	p2 =	por !p2, p0  }
0x20: {  	[sflag:s8] =	ssyncset.s32 @!p0 $0xFFFFF086;
	s6 =	sadd.s32 @!p0 s3, s7;
	s7 =	simm.s32 @!p0 $0x108  }
0x21: {  	s3 =	sadd.s32 s3, s9;
	s6 =	sadd.s32 @!p0 $0x88, s6;
	s7 =	simm.s32 @p2 $0x1082  }
0x22: {  	[simem:s7], [sflag:s8] =	dma.local @!p0 [hbm:s6], $0xF7A  }
0x23: {  	s9 =	sor.u32 $0xD0000000, s2;
	s6 =	simm.s32 $0x108;
	_ =	swait.ge @!p0 [sflag:s8], $0x0  }
0x24: {  	s3 =	sadd.s32 $0x88, s3;
	s6 =	simm.s32 @!p1 $0x1082;
	[sflag:s4] =	ssyncset.s32 $0xFFFFF086  }
0x25: {  	[simem:s6], [sflag:s4] =	dma.local [hbm:s3], $0xF7A  }
0x26: {  	[smem:$0x3F9C] =	sst s1;
	(tag) =	ssettag s2;
	_ =	strace s9  }
0x27: {  	s1 =	sld [smem:$0x3FAC]  }
0x28: {  	s2 =	sld [smem:$0x3FAD]  }
0x29: {  	s4 =	sld [smem:$0x3FAF]  }
0x2a: {  	p0 =	seq.s32 s5, $0x0;
	s5 =	sld [smem:$0x3FB0]  }
0x2b: {  	s6 =	sld [smem:$0x3FB1]  }
0x2c: {  	s7 =	sld [smem:$0x3FB2]  }
0x2d: {  	s3 =	simm.s32 $0x108;
	s8 =	sld [smem:$0x3FB3]  }
0x2e: {  	s3 =	simm.s32 @!p0 $0x1082;
	s9 =	sld [smem:$0x3FB4]  }
0x2f: {  	lr =	sadd.s32 s0, s3;
	s0 =	sld [smem:$0x3FAB]  }
0x30: {  	s3 =	sld [smem:$0x3FAE]  }
0x31: {  	[smem:$0x3FB7] =	sst s10  }
0x32: {  	s10 =	sld [smem:$0x3FB5];
	_ =	sdelay $0x3  }
0x33: {  	p0 =	seq.s32 s10, $0x1;
	s10 =	sld [smem:$0x3FB7];
	_ =	sdelay $0x3  }
0x34: {  	[smem:$0x3FB7] =	sst s10  }
0x35: {  	s10 =	sld [smem:$0x3FB6];
	_ =	sdelay $0x3  }
0x36: {  	p1 =	seq.s32 s10, $0x1;
	s10 =	sld [smem:$0x3FB7];
	_ =	sdelay $0x3  }
0x37: {  	[smem:$0x3FB7] =	sst s10  }
0x38: {  	s10 =	sld [smem:$0x3FB8]  }
0x39: {  	_ = 	snop;
	(pc) =	sbr.ind lr, $3  }
0x3a: {  	_ = 	snop  }
0x3b: {  	_ = 	snop  }
0x3c: {  	p2 =	seq.s32 s10, $0x1;
	s10 =	sld [smem:$0x3FB7]  }
0x3d: {  	_ =	shalt  }
0x3e: {  	_ =	shalt  }
0x3f: {  	_ =	shalt  }
0x40: {  	_ =	shalt  }
0x41: {  	_ =	shalt  }
0x42: {  	_ =	shalt  }
0x43: {  	_ =	shalt  }
0x44: {  	_ =	shalt  }
0x45: {  	_ =	shalt  }
0x46: {  	_ =	shalt  }
0x47: {  	_ =	shalt  }
0x48: {  	_ =	shalt  }
0x49: {  	_ =	shalt  }
0x4a: {  	_ =	shalt  }
0x4b: {  	_ =	shalt  }
0x4c: {  	_ =	shalt  }
0x4d: {  	_ =	shalt  }
0x4e: {  	_ =	shalt  }
0x4f: {  	_ =	shalt  }
0x50: {  	_ =	shalt  }
0x51: {  	_ =	shalt  }
0x52: {  	_ =	shalt  }
0x53: {  	_ =	shalt  }
0x54: {  	_ =	shalt  }
0x55: {  	_ =	shalt  }
0x56: {  	_ =	shalt  }
0x57: {  	_ =	shalt  }
0x58: {  	_ =	shalt  }
0x59: {  	_ =	shalt  }
0x5a: {  	_ =	shalt  }
0x5b: {  	_ =	shalt  }
0x5c: {  	_ =	shalt  }
0x5d: {  	_ =	shalt  }
0x5e: {  	_ =	shalt  }
0x5f: {  	_ =	shalt  }
0x60: {  	_ =	shalt  }
0x61: {  	_ =	shalt  }
0x62: {  	_ =	shalt  }
0x63: {  	_ =	shalt  }
0x64: {  	_ =	shalt  }
0x65: {  	_ =	shalt  }
0x66: {  	_ =	shalt  }
0x67: {  	_ =	shalt  }
0x68: {  	_ =	shalt  }
0x69: {  	_ =	shalt  }
0x6a: {  	_ =	shalt  }
0x6b: {  	_ =	shalt  }
0x6c: {  	_ =	shalt  }
0x6d: {  	_ =	shalt  }
0x6e: {  	_ =	shalt  }
0x6f: {  	_ =	shalt  }
0x70: {  	_ =	shalt  }
0x71: {  	_ =	shalt  }
0x72: {  	_ =	shalt  }
0x73: {  	_ =	shalt  }
0x74: {  	_ =	shalt  }
0x75: {  	_ =	shalt  }
0x76: {  	_ =	shalt  }
0x77: {  	_ =	shalt  }
0x78: {  	_ =	shalt  }
0x79: {  	_ =	shalt  }
0x7a: {  	_ =	shalt  }
0x7b: {  	_ =	shalt  }
0x7c: {  	_ =	shalt  }
0x7d: {  	_ =	shalt  }
0x7e: {  	_ =	shalt  }
0x7f: {  	_ =	shalt  }
0x80: {  	_ =	shalt  }
0x81: {  	_ =	shalt  }
0x82: {  	_ =	shalt  }
0x83: {  	_ =	shalt  }
0x84: {  	_ =	shalt  }
0x85: {  	_ =	shalt  }
0x86: {  	_ =	shalt  }
0x87: {  	_ =	shalt  }
.Lfunc_end0:
.L_simem_size_0:
called_computation.1_lowered:
.L_overlay_start_0:
0x88: {  	s2 =	sld [smem:$0x3FD9]  }
0x89: {  	s3 =	sld [smem:$0x3FFE];
	_ =	sdelay $0x1  }
0x8a: {  	s1 =	srdreg.scid  }
0x8b: {  	s0 =	sand.u32 $0x1, s1  }
0x8c: {  	s14 =	sshll.u32 s0, $0xA;
	s2 =	sadd.s32 s3, s2  }
0x8d: {  	s2 =	sadd.s32 s2, s14  }
0x8e: {  	[smem:$0x3FC3] =	sst s2  }
0x8f: {  	_ = 	snop  }
0x90: {  	s2 =	sld [smem:$0x3FD0];
	_ =	sdelay $0x2  }
0x91: {  	s15 =	simm.s32 $0xA;
	s4 =	simm.s32 $0x10  }
0x92: {  	[smem:s4], [sflag:s15] =	dma.local [hbm:s2], $0x1  }
0x93: {  	_ =	swait.eq [sflag:s15], $0x1  }
0x94: {  	[sflag:s15] =	ssyncset.done $0x0  }
0x95: {  	[sflag:s15] =	ssyncadd.s32 $0xFFFFFFFF  }
0x96: {  	s16 =	sld [smem:$0x10];
	(tm) =	ssettm $0x1  }
0x97: {  	s17 =	sld [smem:$0x3FFB];
	_ =	sdelay $0x3  }
0x98: {  	_ =	strace s17  }
0x99: {  	s3 =	sld [smem:$0x3FFC];
	_ =	sdelay $0x3  }
0x9a: {  	_ =	strace s3  }
0x9b: {  	s3 =	sld [smem:$0x3FFD];
	_ =	sdelay $0x3  }
0x9c: {  	_ =	strace s3  }
0x9d: {  	_ =	strace $0x8FFFFFFF  }
0x9e: {  	s18 =	sld [smem:$0x3FDB];
	_ =	sdelay $0x1  }
0x9f: {  	s19 =	simm.s32 $_scs_section_size  }
0xa0: {  	s5 =	simm.s32 $_size__tile_overlayer_lowered;
	s6 =	simm.s32 $_tile_overlayer_lowered  }
0xa1: {  	s22 =	simm.s32 $0x1BFF;
	s21 =	sshll.u32 s6, $0x1;
	s3 =	sadd.s32 s19, s18  }
0xa2: {  	s7 =	simm.s32 $0x0;
	s20 =	sshll.u32 s5, $0x1;
	s5 =	sadd.s32 s21, s3  }
0xa3: {  	[timem:s7], [sflag:s22] =	dma.local [hbm:s5], s20  }
0xa4: {  	_ =	swait.ge [sflag:s22], s20  }
0xa5: {  	s4 =	ssub.s32 $0x0, s20;
	[sflag:s22] =	ssyncset.done $0x0  }
0xa6: {  	[sflag:s22] =	ssyncadd.s32 s4;
	_ =	sdelay $0x1  }
0xa7: {  	s23 =	simm.s32 $0x1B8B  }
0xa8: {  	_ =	swait.ge [sflag:s23], $0x1  }
0xa9: {  	[sflag:s23] =	ssyncset.done $0x0  }
0xaa: {  	s25 =	simm.s32 $0x1B8E;
	s24 =	sld [smem:$0x3FFE];
	[sflag:s23] =	ssyncadd.s32 $0xFFFFFFFF  }
0xab: {  	s26 =	simm.s32 $execute0_lowered;
	[smem:$0x3FD2] =	sst s25  }
0xac: {  	s5 =	sshll.u32 s26, $0x1;
	_ =	strace $0x80000049;
	[dreg:$0x1] =	wrdreg $0xFFFFFFFF  }
0xad: {  	s28 =	simm.s32 $_size_execute0_lowered;
	s3 =	sadd.s32 s3, s5;
	[dreg:$0x0] =	wrdreg $0x0  }
0xae: {  	s5 =	sshll.u32 s28, $0x1;
	[dreg:$0x2] =	wrdreg s3  }
0xaf: {  	[dreg:$0x3] =	wrdreg s5  }
0xb0: {  	[dreg:$0x4] =	wrdreg $0xC0  }
0xb1: {  	_ =	task [dreg:s7], $0x5FFFF  }
0xb2: {  	[dreg:$0x1] =	wrdreg $0xFFFFFFFF  }
0xb3: {  	[dreg:$0x0] =	wrdreg $0x60  }
0xb4: {  	[dreg:$0x2] =	wrdreg s24  }
0xb5: {  	[dreg:$0x3] =	wrdreg s16  }
0xb6: {  	[dreg:$0x4] =	wrdreg $0x90000  }
0xb7: {  	[dreg:$0x5] =	wrdreg $0x9  }
0xb8: {  	_ =	task.clear_ibuf [dreg:s7], $0x6FFFF;
	_ =	strace $0x90000049  }
0xb9: {  	s29 =	simm.s32 $0x9;
	_ =	strace $0x8000004B  }
0xba: {  	_ =	swait.ge [sflag:s29], $0x1  }
0xbb: {  	[sflag:s29] =	ssyncadd.s32 $0xFFFFFFFF  }
0xbc: {  	_ =	strace $0x9000004B  }
0xbd: {  	_ =	sfence  }
0xbe: {  	s30 =	sld [smem:$0x0];
	_ =	sdelay $0x2  }
0xbf: {  	s31 =	sshll.u32 s1, $0xD;
	s1 =	sshrl.u32 s1, $0x2  }
0xc0: {  	s3 =	sand.u32 $0x4000, s31;
	s1 =	sadd.s32 s1, s30  }
0xc1: {  	s0 =	sor.u32 s3, s0;
	s1 =	sshll.u32 s1, $0x11  }
0xc2: {  	s0 =	sor.u32 s1, s0  }
0xc3: {  	s0 =	sadd.s32 $0x8F2B, s0  }
0xc4: {  	[sflag:s0] =	ssyncadd.remote.s32 $0x1  }
0xc5: {  	_ =	sfence.sel $0xFFFF  }
0xc6: {  	[dreg:$0x0] =	wrdreg $0xFFFFFFFF;
	(pc) =	sbr.abs _section_cstart, $3  }
0xc7: {  	[dreg:$0x1] =	wrdreg $0xFFFFFFFF  }
0xc8: {  	_ =	task.clear_ibuf [dreg:s7], $0x2FFFF;
	_ =	strace $0x9FFFFFFF  }
0xc9: {  	(tm) =	ssettm $0x7FFFFFFF  }
tec
execute0_lowered:
.L_overlay_start_1:
0x0: {  	(tag) =	ssettag $0x1  }
0x1: {  	s5 =	rddreg [dreg:$0x0]  }
0x2: {  	s0 =	srdreg.scid;
	s8 =	rddreg [dreg:$0x1]  }
0x3: {  	s2 =	rddreg [dreg:$0x2];
	s6 =	sand.u32 $0x1, s0;
	s0 =	stileid.u32  }
0x4: {  	s3 =	simm.s32 $0x0;
	s16 =	simm.s32 $0x1;
	s7 =	smul.u32 $0x14000, s0  }
0x5: {  	s17 =	simm.s32 $0x0;
	[smem:$0x7FF] =	sst s3;
	s10 =	smul.u32 $0x140000, s6  }
0x6: {  	s1 =	sshll.u32 s6, $0x4;
	s6 =	ssub.s32 $0x2, s6;
	s29 =	smul.u32 $0x50000, s0  }
0x7: {  	s31 =	sshll.u32 s0, $0x6;
	s4 =	sor.u32 s0, s1;
	s1 =	rddreg [dreg:$0x3]  }
0x8: {  	_ =	strace $0x8000004A;
	s13 =	sshrl.u32 s6, $0x1;
	s9 =	smul.u32 $0x500, s4  }
0x9: {  	s4 =	sadd.s32 $0x1400, s5;
	s12 =	sshrl.u32 s7, $0x3;
	s7 =	sadd.s32 s7, s10  }
0xa: {  	s13 =	ssub.s32 s6, s13;
	s30 =	sshrl.u32 s29, $0x2;
	s6 =	sor.u32 $0x1C02, s31  }
0xb: {  	s12 =	sadd.s32 s12, s5;
	s7 =	sshrl.u32 s7, $0x3;
	s15 =	sadd.s32 s30, s2  }
0xc: {  	s10 =	smax.u32 s13, $0x1;
	s13 =	simm.s32 $0x2800;
	s11 =	sadd.s32 s9, s5  }
0xd: {  	s14 =	sadd.s32 s7, s5;
	s5 =	sadd.s32 $0x29400, s12;
	s8 =	sadd.s32 s8, s9  }
0xe: {  	s12 =	simm.s32 $0x2;
	s7 =	sadd.s32 $0x79400, s11;
	s9 =	sadd.s32 $0x83400, s14  }
0xf: {  	s11 =	sshrl.u32 s15, $0x3;
	s14 =	simm.s32 $0x80;
	s15 =	simm.s32 $0x5000  }
.LBB2_1:
0x10: {  	[spmem:s11], [sflag:s6] =	dma.local [hbm:s5], $0x2800  }
0x11: {  	_ =	swait.ge [sflag:s12], $0x2800  }
0x12: {  	[sflag:s12] =	ssyncset.done $0x0  }
0x13: {  	[sflag:s12] =	ssyncadd.s32 $0xFFFFD800  }
0x14: {  	[tilespmem:s3], [sflag:$0x2] =	stream.linear.gather [hbm4b:s7+s3], $0x2800, $0x38;
	[tilespmem:$0x1D000] =	vst v63  }
0x15: {  	_ =	swait.ge [sflag:s12], $0x2800  }
0x16: {  	[sflag:s12] =	ssyncset.done $0x0  }
0x17: {  	[sflag:s12] =	ssyncadd.s32 $0xFFFFD800  }
0x18: {  	[tilespmem:s13], [sflag:$0x2] =	stream.linear.gather [hbm4b:s8+s3], $0x2800, $0x38;
	[tilespmem:$0x1D000] =	vst v63  }
0x19: {  	_ =	swait.ge [sflag:s12], $0x2800  }
0x1a: {  	[sflag:s12] =	ssyncset.done $0x0  }
0x1b: {  	[sflag:s12] =	ssyncadd.s32 $0xFFFFD800  }
0x1c: {  	s18 =	simm.s32 $0x0;
	[bflag:$0x0] =	sbarrier.arrive $0xFFFF  }
0x1d: {  	[tilespmem:s15], [sflag:$0x1] =	stream.indirect.gather [hbm4b:s4+s14], $0x80, s18, s14, $0xb8;
	[tilespmem:$0x1D000] =	vst v63  }
0x1e: {  	_ =	swait.ge [sflag:s16], $0x4000  }
0x1f: {  	[sflag:s16] =	ssyncset.done $0x0  }
0x20: {  	s31 =	simm.s32 $0x2800;
	[sflag:s16] =	ssyncadd.s32 $0xFFFFC000  }
0x21: {  	[spmem:s2] =	stream.indirect.scatter.add.f32 [tilespmem:s15], [sflag:$0x2], $0x80, s31, s14, $0xb8;
	[tilespmem:$0x1D000] =	vst v63  }
0x22: {  	_ =	swait.ge [sflag:s12], $0x4000  }
0x23: {  	s19 =	simm.s32 $0x400;
	s18 =	simm.s32 $0x200;
	[sflag:s12] =	ssyncset.done $0x0  }
.LBB2_2:
0x24: {  	s20 =	sshra.s32 s18, $0x2  }
0x25: {  	[sflag:s12] =	ssyncadd.s32 $0xFFFFC000;
	s18 =	smov.u32 s19;
	s21 =	sadd.s32 $0x200, s19  }
0x26: {  	[tilespmem:s15], [sflag:$0x1] =	stream.indirect.gather [hbm4b:s4+s14], $0x80, s20, s14, $0xb8;
	[tilespmem:$0x1D000] =	vst v63  }
0x27: {  	p0 =	sne.s32 s19, $0x9E00;
	_ =	swait.ge [sflag:s16], $0x4000  }
.Ltmp0:
0x28: {  	[sflag:s16] =	ssyncset.done $0x0;
	(pc) =	sbr.rel @p0 .LBB2_2-.Ltmp0, $4  }
0x29: {  	s19 =	sadd.s32 $0x2800, s20;
	[sflag:s16] =	ssyncadd.s32 $0xFFFFC000  }
0x2a: {  	[spmem:s2] =	stream.indirect.scatter.add.f32 [tilespmem:s15], [sflag:$0x2], $0x80, s19, s14, $0xb8;
	[tilespmem:$0x1D000] =	vst v63  }
0x2b: {  	_ =	swait.ge [sflag:s12], $0x4000  }
0x2c: {  	s19 =	smov.u32 s21;
	[sflag:s12] =	ssyncset.done $0x0  }
0x2d: {  	s18 =	sshra.s32 s18, $0x2;
	[sflag:s12] =	ssyncadd.s32 $0xFFFFC000  }
0x2e: {  	[tilespmem:s15], [sflag:$0x1] =	stream.indirect.gather [hbm4b:s4+s14], $0x80, s18, s14, $0xb8;
	[tilespmem:$0x1D000] =	vst v63  }
0x2f: {  	_ =	swait.ge [sflag:s16], $0x4000  }
0x30: {  	[sflag:s16] =	ssyncset.done $0x0  }
0x31: {  	s18 =	sadd.s32 $0x2800, s18;
	[sflag:s16] =	ssyncadd.s32 $0xFFFFC000  }
0x32: {  	[spmem:s2] =	stream.indirect.scatter.add.f32 [tilespmem:s15], [sflag:$0x2], $0x80, s18, s14, $0xb8;
	[tilespmem:$0x1D000] =	vst v63  }
0x33: {  	_ =	swait.ge [sflag:s12], $0x4000  }
0x34: {  	s17 =	sadd.s32 $0x1, s17;
	[sflag:s12] =	ssyncset.done $0x0  }
0x35: {  	p0 =	sne.s32 s17, s10;
	[sflag:s12] =	ssyncadd.s32 $0xFFFFC000  }
.Ltmp1:
0x36: {  	[bflag:$0x0] =	sbarrier.arrive $0xFFFF;
	(pc) =	sbr.rel @p0 .LBB2_1-.Ltmp1, $4  }
0x37: {  	[hbm:s9], [sflag:s6] =	dma.local [spmem:s11], $0x2800  }
0x38: {  	_ =	swait.ge [sflag:s12], $0x2800  }
0x39: {  	[sflag:s12] =	ssyncset.done $0x0  }
0x3a: {  	[sflag:s12] =	ssyncadd.s32 $0xFFFFD800  }
0x3b: {  	_ =	sfence.sel $0x180000  }
0x3c: {  	[bflag:$0x0] =	sbarrier.arrive $0xFFFF  }
0x3d: {  	p0 =	sne.s32 s0, $0x0;
	_ =	strace $0x9000004A  }
0x3e: {  	s0 =	sadd.s32 @!p0 $0x100000, s1;
	[bflag:$0x2] =	sbarrier.arrive $0xFFFF  }
0x3f: {  	[sflag:s0] =	ssyncadd.tile.s32 @!p0 $0x1;
	_ =	shalt  }
.Lfunc_end2:
_tile_overlayer_lowered:
.L_overlay_start_2:
0x40: {  	(tag) =	ssettag $0x2  }
0x41: {  	s0 =	rddreg [dreg:$0x0];
	s2 =	stileid.u32  }
0x42: {  	s1 =	rddreg [dreg:$0x1];
	p0 =	sne.s32 s2, $0x0  }
0x43: {  	s3 =	rddreg [dreg:$0x2];
	[bflag:$0x3] =	sbarrier.arrive $0xFFFF;
	s2 =	simm.s32 @!p0 $0x1C02  }
0x44: {  	[timem:s3], [sflag:s2] =	dma.local @!p0 [hbm:s0], s1  }
0x45: {  	s0 =	simm.s32 @!p0 $0x2  }
0x46: {  	_ =	swait.ge @!p0 [sflag:s0], s1  }
0x47: {  	s1 =	ssub.s32 @!p0 $0x0, s1;
	[sflag:s0] =	ssyncset.done @!p0 $0x0  }
0x48: {  	[sflag:s0] =	ssyncadd.s32 @!p0 s1  }
0x49: {  	[bflag:$0x3] =	sbarrier.arrive $0xFFFF  }
0x4a: {  	_ =	shalt  }

</sc_bundles>
